<compile_context>
chip_gen: v7x
topology: tpu7x:2x2x1
jax: 0.10.2.dev20260603
libtpu: 0.0.44.dev20260713+nightly
codegen_flags: <defaults>
</compile_context>

<pallas_src>
import functools
import math

import jax
import jax.numpy as jnp
from jax import lax
from jax.experimental import pallas as pl
from jax.experimental.pallas import tpu as pltpu
from jax.experimental.pallas import tpu_sc as plsc

_LANES = 16


def _positional_encoding_host(max_len, d_model):
    position = jnp.arange(max_len, dtype=jnp.float32)[:, None]
    div_term = jnp.exp(
        jnp.arange(0, d_model, 2, dtype=jnp.float32) * (-math.log(10000.0) / d_model)
    )
    angles = position * div_term[None, :]
    pe = jnp.zeros((max_len, d_model), dtype=jnp.float32)
    pe = pe.at[:, 0::2].set(jnp.sin(angles))
    pe = pe.at[:, 1::2].set(jnp.cos(angles))
    return pe


_NBUF = 4


@functools.lru_cache(maxsize=None)
def _build_emb_kernel(batch, seq, dim, n_workers):
    n_tok = batch * seq
    tok_per_w = n_tok // n_workers
    chunks = tok_per_w // seq
    half = seq // 2
    nvec = dim // _LANES
    nbuf = _NBUF
    assert chunks % nbuf == 0

    mesh = plsc.VectorSubcoreMesh(core_axis_name="c", subcore_axis_name="s")

    @functools.partial(
        pl.kernel,
        out_type=jax.ShapeDtypeStruct((batch, seq, dim), jnp.float32),
        mesh=mesh,
        compiler_params=pltpu.CompilerParams(use_tc_tiling_on_sc=False),
        scratch_types=[
            pltpu.VMEM((2 * chunks, half), jnp.int32),
            [pltpu.VMEM((seq, dim), jnp.float32) for _ in range(nbuf)],
            pltpu.VMEM((seq, dim), jnp.float32),
            [pltpu.SemaphoreType.DMA for _ in range(nbuf)],
            [pltpu.SemaphoreType.DMA for _ in range(nbuf)],
        ],
    )
    def emb(tok_ref, table_ref, pe_ref, out_ref, idx_v, rows_v, pe_v, gsem, osem):
        wid = lax.axis_index("s") * 2 + lax.axis_index("c")
        pltpu.sync_copy(pe_ref, pe_v)
        row_base = wid * (chunks * 2)
        seq_base = wid * chunks
        pltpu.sync_copy(tok_ref.at[pl.ds(row_base, 2 * chunks)], idx_v)

        def gather_start(c, b):
            r = c * 2
            pltpu.async_copy(
                table_ref.at[idx_v.at[r]], rows_v[b].at[pl.ds(0, half)], gsem[b]
            )
            pltpu.async_copy(
                table_ref.at[idx_v.at[r + 1]], rows_v[b].at[pl.ds(half, half)], gsem[b]
            )

        def gather_wait(b):
            pltpu.make_async_copy(out_ref.at[seq_base], rows_v[b], gsem[b]).wait()

        def out_start(c, b):
            pltpu.async_copy(rows_v[b], out_ref.at[seq_base + c], osem[b])

        def out_wait(b):
            pltpu.make_async_copy(rows_v[b], out_ref.at[seq_base], osem[b]).wait()

        for b in range(nbuf - 1):
            gather_start(b, b)

        def outer(go, carry):
            for b in range(nbuf):
                g = go * nbuf + b
                nxt = g + nbuf - 1
                nb = (b + nbuf - 1) % nbuf

                @pl.when(jnp.logical_and(nxt < chunks, nxt >= nbuf))
                def _():
                    out_wait(nb)

                @pl.when(nxt < chunks)
                def _():
                    gather_start(nxt, nb)

                gather_wait(b)

                def add_body(i, acc):
                    for j in range(nvec):
                        sl = pl.ds(j * _LANES, _LANES)
                        plsc.addupdate(rows_v[b].at[i, sl], pe_v[i, sl])
                    return acc

                lax.fori_loop(0, seq, add_body, None, unroll=4)
                out_start(g, b)
            return carry

        lax.fori_loop(0, chunks // nbuf, outer, None)
        for b in range(nbuf):
            out_wait(b)

    return emb


def kernel(tokens, table):
    batch, seq = tokens.shape
    vocab, dim = table.shape
    n_tok = batch * seq
    n_workers = 32
    assert n_tok % (n_workers * seq) == 0 and seq % 2 == 0 and dim % _LANES == 0

    pe = _positional_encoding_host(seq, dim)
    tok2d = tokens.reshape(-1, seq // 2).astype(jnp.int32)
    emb = _build_emb_kernel(batch, seq, dim, n_workers)
    return emb(tok2d, table, pe)

# --- scband reference (transcript-rebuilt; emitter-appended) ---
"""Pipeline reference for scband-embedding-35699768165155 (READ-ONLY COPY).

The authoritative reference and input builder live on the scoring server;
editing this copy changes nothing except your own understanding.
"""

import jax, jax.numpy as jnp
import numpy as np

VOCAB = 100000
DIM = 64
MAX_LEN = 5000
BATCH = 4096
SEQ = 200


def _positional_encoding(max_len, d_model):
    position = jnp.arange(max_len, dtype=jnp.float32)[:, None]
    div_term = jnp.exp(jnp.arange(0, d_model, 2, dtype=jnp.float32) * (-jnp.log(10000.0) / d_model))
    angles = position * div_term[None, :]
    pe = jnp.zeros((max_len, d_model), dtype=jnp.float32)
    pe = pe.at[:, 0::2].set(jnp.sin(angles))
    pe = pe.at[:, 1::2].set(jnp.cos(angles))
    return pe


def setup_inputs(seed: int = 0) -> dict:
    key = jax.random.key(seed)
    k_tok, k_tab = jax.random.split(key)
    tokens = jax.random.randint(k_tok, (BATCH, SEQ), 0, VOCAB, dtype=jnp.int64 if jax.config.jax_enable_x64 else jnp.int32)
    table = jax.random.normal(k_tab, (VOCAB, DIM), dtype=jnp.float32) * 0.02
    return {"tokens": tokens, "table": table}


def reference(tokens, table):
    # token embedding lookup (gather)
    token_emb = jnp.take(table, tokens, axis=0)  # [B, S, D]
    # sinusoidal positional encoding, sliced to seq_len
    seq_len = tokens.shape[1]
    pe = _positional_encoding(MAX_LEN, table.shape[1])[:seq_len]  # [S, D]
    return token_emb + pe[None, :, :]

if __name__ == "__main__":
    import jax
    _d = setup_inputs()
    print(jax.jit(kernel)(*tuple(_d.values())))

</pallas_src>

<mosaic_0001>
#map = affine_map<(d0, d1) -> (0, 0)>
#map1 = affine_map<(d0, d1) -> (0, 0, 0)>
module attributes {stable_mosaic.version = 14 : i64} {
  func.func @emb(%arg0: i32, %arg1: i32, %arg2: memref<8192x100xi32, #tpu.memory_space<hbm>>, %arg3: memref<100000x64xf32, #tpu.memory_space<hbm>>, %arg4: memref<200x64xf32, #tpu.memory_space<hbm>>, %arg5: memref<4096x200x64xf32, #tpu.memory_space<hbm>>, %arg6: memref<256x100xi32, #tpu.memory_space<vmem>>, %arg7: memref<200x64xf32, #tpu.memory_space<vmem>>, %arg8: memref<200x64xf32, #tpu.memory_space<vmem>>, %arg9: memref<200x64xf32, #tpu.memory_space<vmem>>, %arg10: memref<200x64xf32, #tpu.memory_space<vmem>>, %arg11: memref<200x64xf32, #tpu.memory_space<vmem>>, %arg12: memref<!tpu.dma_semaphore, #tpu.memory_space<semaphore_mem>>, %arg13: memref<!tpu.dma_semaphore, #tpu.memory_space<semaphore_mem>>, %arg14: memref<!tpu.dma_semaphore, #tpu.memory_space<semaphore_mem>>, %arg15: memref<!tpu.dma_semaphore, #tpu.memory_space<semaphore_mem>>, %arg16: memref<!tpu.dma_semaphore, #tpu.memory_space<semaphore_mem>>, %arg17: memref<!tpu.dma_semaphore, #tpu.memory_space<semaphore_mem>>, %arg18: memref<!tpu.dma_semaphore, #tpu.memory_space<semaphore_mem>>, %arg19: memref<!tpu.dma_semaphore, #tpu.memory_space<semaphore_mem>>) attributes {dimension_semantics = [#tpu.dimension_semantics<core_parallel>, #tpu.dimension_semantics<subcore_parallel>], iteration_bounds = array<i64: 2, 16>, scalar_prefetch = 0 : i64, scratch_operands = 14 : i64, tpu.core_type = #tpu.core_type<sc_vector_subcore>, window_params = [{transform_indices = #map}, {transform_indices = #map}, {transform_indices = #map}, {transform_indices = #map1}]} {
    %mul3A = arith.constant 2 : i32
    %mul3A_0 = arith.muli %arg1, %mul3A : i32
    %add3A = arith.addi %mul3A_0, %arg0 : i32
    "tpu.region"() ({
      %run_scoped3A = tpu.sem_alloc : memref<!tpu.dma_semaphore, #tpu.memory_space<semaphore_mem>>
      tpu.enqueue_dma source(%arg4 : memref<200x64xf32, #tpu.memory_space<hbm>>) target(%arg11 : memref<200x64xf32, #tpu.memory_space<vmem>>) target_semaphore(%run_scoped3A : memref<!tpu.dma_semaphore, #tpu.memory_space<semaphore_mem>>)
      tpu.wait_dma2 semaphore(%run_scoped3A : memref<!tpu.dma_semaphore, #tpu.memory_space<semaphore_mem>>) src(%arg4 : memref<200x64xf32, #tpu.memory_space<hbm>>) dst(%arg11 : memref<200x64xf32, #tpu.memory_space<vmem>>)
      tpu.yield
    }) : () -> ()
    %mul3A_1 = arith.constant 256 : i32
    %mul3A_2 = arith.muli %add3A, %mul3A_1 : i32
    %mul3A_3 = arith.constant 128 : i32
    %mul3A_4 = arith.muli %add3A, %mul3A_3 : i32
    "tpu.region"() ({
      %run_scoped3A = tpu.sem_alloc : memref<!tpu.dma_semaphore, #tpu.memory_space<semaphore_mem>>
      %dma_start3A_99 = arith.constant 0 : i32
      %dma_start3A_100 = tpu.memref_slice %arg2[%mul3A_2, %dma_start3A_99] : memref<8192x100xi32, #tpu.memory_space<hbm>> -> memref<256x100xi32, #tpu.memory_space<hbm>>
      %dma_start3A_101 = arith.constant 0 : i32
      %dma_start3A_102 = tpu.memref_slice %arg2[%mul3A_2, %dma_start3A_101] : memref<8192x100xi32, #tpu.memory_space<hbm>> -> memref<256x100xi32, #tpu.memory_space<hbm>>
      tpu.enqueue_dma source(%dma_start3A_102 : memref<256x100xi32, #tpu.memory_space<hbm>>) target(%arg6 : memref<256x100xi32, #tpu.memory_space<vmem>>) target_semaphore(%run_scoped3A : memref<!tpu.dma_semaphore, #tpu.memory_space<semaphore_mem>>)
      %dma_wait3A_103 = arith.constant 0 : i32
      %dma_wait3A_104 = tpu.memref_slice %arg2[%mul3A_2, %dma_wait3A_103] : memref<8192x100xi32, #tpu.memory_space<hbm>> -> memref<256x100xi32, #tpu.memory_space<hbm>>
      %dma_wait3A_105 = arith.constant 0 : i32
      %dma_wait3A_106 = tpu.memref_slice %arg2[%mul3A_2, %dma_wait3A_105] : memref<8192x100xi32, #tpu.memory_space<hbm>> -> memref<256x100xi32, #tpu.memory_space<hbm>>
      tpu.wait_dma2 semaphore(%run_scoped3A : memref<!tpu.dma_semaphore, #tpu.memory_space<semaphore_mem>>) src(%dma_wait3A_106 : memref<256x100xi32, #tpu.memory_space<hbm>>) dst(%arg6 : memref<256x100xi32, #tpu.memory_space<vmem>>)
      tpu.yield
    }) : () -> ()
    %dma_start3A = arith.constant 0 : i32
    %dma_start3A_5 = arith.constant 0 : i32
    %dma_start3A_6 = arith.constant 0 : i32
    %dma_start3A_7 = tpu.memref_slice %arg7[%dma_start3A_5, %dma_start3A_6] : memref<200x64xf32, #tpu.memory_space<vmem>> -> memref<100x64xf32, #tpu.memory_space<vmem>>
    %dma_start3A_8 = arith.constant 0 : i32
    %dma_start3A_9 = tpu.memref_slice %arg6[%dma_start3A, %dma_start3A_8] : memref<256x100xi32, #tpu.memory_space<vmem>> -> memref<1x100xi32, #tpu.memory_space<vmem>>
    %dma_start3A_10 = tpu.memref_squeeze %dma_start3A_9 : memref<1x100xi32, #tpu.memory_space<vmem>> -> memref<100xi32, #tpu.memory_space<vmem>>
    %dma_start3A_11 = arith.constant 0 : i32
    %dma_start3A_12 = arith.constant 0 : i32
    %dma_start3A_13 = tpu.memref_slice %arg3[%dma_start3A_11, %dma_start3A_12] : memref<100000x64xf32, #tpu.memory_space<hbm>> -> memref<100000x64xf32, #tpu.memory_space<hbm>>
    tpu.enqueue_indirect_dma source(%dma_start3A_13 : memref<100000x64xf32, #tpu.memory_space<hbm>>) target(%dma_start3A_7 : memref<100x64xf32, #tpu.memory_space<vmem>>) offsets(%dma_start3A_10 : memref<100xi32, #tpu.memory_space<vmem>>) semaphore(%arg12 : memref<!tpu.dma_semaphore, #tpu.memory_space<semaphore_mem>>)
    %dma_start3A_14 = arith.constant 1 : i32
    %dma_start3A_15 = arith.constant 100 : i32
    %dma_start3A_16 = arith.constant 0 : i32
    %dma_start3A_17 = tpu.memref_slice %arg7[%dma_start3A_15, %dma_start3A_16] : memref<200x64xf32, #tpu.memory_space<vmem>> -> memref<100x64xf32, #tpu.memory_space<vmem>>
    %dma_start3A_18 = arith.constant 0 : i32
    %dma_start3A_19 = tpu.memref_slice %arg6[%dma_start3A_14, %dma_start3A_18] : memref<256x100xi32, #tpu.memory_space<vmem>> -> memref<1x100xi32, #tpu.memory_space<vmem>>
    %dma_start3A_20 = tpu.memref_squeeze %dma_start3A_19 : memref<1x100xi32, #tpu.memory_space<vmem>> -> memref<100xi32, #tpu.memory_space<vmem>>
    %dma_start3A_21 = arith.constant 0 : i32
    %dma_start3A_22 = arith.constant 0 : i32
    %dma_start3A_23 = tpu.memref_slice %arg3[%dma_start3A_21, %dma_start3A_22] : memref<100000x64xf32, #tpu.memory_space<hbm>> -> memref<100000x64xf32, #tpu.memory_space<hbm>>
    tpu.enqueue_indirect_dma source(%dma_start3A_23 : memref<100000x64xf32, #tpu.memory_space<hbm>>) target(%dma_start3A_17 : memref<100x64xf32, #tpu.memory_space<vmem>>) offsets(%dma_start3A_20 : memref<100xi32, #tpu.memory_space<vmem>>) semaphore(%arg12 : memref<!tpu.dma_semaphore, #tpu.memory_space<semaphore_mem>>)
    %dma_start3A_24 = arith.constant 2 : i32
    %dma_start3A_25 = arith.constant 0 : i32
    %dma_start3A_26 = arith.constant 0 : i32
    %dma_start3A_27 = tpu.memref_slice %arg8[%dma_start3A_25, %dma_start3A_26] : memref<200x64xf32, #tpu.memory_space<vmem>> -> memref<100x64xf32, #tpu.memory_space<vmem>>
    %dma_start3A_28 = arith.constant 0 : i32
    %dma_start3A_29 = tpu.memref_slice %arg6[%dma_start3A_24, %dma_start3A_28] : memref<256x100xi32, #tpu.memory_space<vmem>> -> memref<1x100xi32, #tpu.memory_space<vmem>>
    %dma_start3A_30 = tpu.memref_squeeze %dma_start3A_29 : memref<1x100xi32, #tpu.memory_space<vmem>> -> memref<100xi32, #tpu.memory_space<vmem>>
    %dma_start3A_31 = arith.constant 0 : i32
    %dma_start3A_32 = arith.constant 0 : i32
    %dma_start3A_33 = tpu.memref_slice %arg3[%dma_start3A_31, %dma_start3A_32] : memref<100000x64xf32, #tpu.memory_space<hbm>> -> memref<100000x64xf32, #tpu.memory_space<hbm>>
    tpu.enqueue_indirect_dma source(%dma_start3A_33 : memref<100000x64xf32, #tpu.memory_space<hbm>>) target(%dma_start3A_27 : memref<100x64xf32, #tpu.memory_space<vmem>>) offsets(%dma_start3A_30 : memref<100xi32, #tpu.memory_space<vmem>>) semaphore(%arg13 : memref<!tpu.dma_semaphore, #tpu.memory_space<semaphore_mem>>)
    %dma_start3A_34 = arith.constant 3 : i32
    %dma_start3A_35 = arith.constant 100 : i32
    %dma_start3A_36 = arith.constant 0 : i32
    %dma_start3A_37 = tpu.memref_slice %arg8[%dma_start3A_35, %dma_start3A_36] : memref<200x64xf32, #tpu.memory_space<vmem>> -> memref<100x64xf32, #tpu.memory_space<vmem>>
    %dma_start3A_38 = arith.constant 0 : i32
    %dma_start3A_39 = tpu.memref_slice %arg6[%dma_start3A_34, %dma_start3A_38] : memref<256x100xi32, #tpu.memory_space<vmem>> -> memref<1x100xi32, #tpu.memory_space<vmem>>
    %dma_start3A_40 = tpu.memref_squeeze %dma_start3A_39 : memref<1x100xi32, #tpu.memory_space<vmem>> -> memref<100xi32, #tpu.memory_space<vmem>>
    %dma_start3A_41 = arith.constant 0 : i32
    %dma_start3A_42 = arith.constant 0 : i32
    %dma_start3A_43 = tpu.memref_slice %arg3[%dma_start3A_41, %dma_start3A_42] : memref<100000x64xf32, #tpu.memory_space<hbm>> -> memref<100000x64xf32, #tpu.memory_space<hbm>>
    tpu.enqueue_indirect_dma source(%dma_start3A_43 : memref<100000x64xf32, #tpu.memory_space<hbm>>) target(%dma_start3A_37 : memref<100x64xf32, #tpu.memory_space<vmem>>) offsets(%dma_start3A_40 : memref<100xi32, #tpu.memory_space<vmem>>) semaphore(%arg13 : memref<!tpu.dma_semaphore, #tpu.memory_space<semaphore_mem>>)
    %dma_start3A_44 = arith.constant 4 : i32
    %dma_start3A_45 = arith.constant 0 : i32
    %dma_start3A_46 = arith.constant 0 : i32
    %dma_start3A_47 = tpu.memref_slice %arg9[%dma_start3A_45, %dma_start3A_46] : memref<200x64xf32, #tpu.memory_space<vmem>> -> memref<100x64xf32, #tpu.memory_space<vmem>>
    %dma_start3A_48 = arith.constant 0 : i32
    %dma_start3A_49 = tpu.memref_slice %arg6[%dma_start3A_44, %dma_start3A_48] : memref<256x100xi32, #tpu.memory_space<vmem>> -> memref<1x100xi32, #tpu.memory_space<vmem>>
    %dma_start3A_50 = tpu.memref_squeeze %dma_start3A_49 : memref<1x100xi32, #tpu.memory_space<vmem>> -> memref<100xi32, #tpu.memory_space<vmem>>
    %dma_start3A_51 = arith.constant 0 : i32
    %dma_start3A_52 = arith.constant 0 : i32
    %dma_start3A_53 = tpu.memref_slice %arg3[%dma_start3A_51, %dma_start3A_52] : memref<100000x64xf32, #tpu.memory_space<hbm>> -> memref<100000x64xf32, #tpu.memory_space<hbm>>
    tpu.enqueue_indirect_dma source(%dma_start3A_53 : memref<100000x64xf32, #tpu.memory_space<hbm>>) target(%dma_start3A_47 : memref<100x64xf32, #tpu.memory_space<vmem>>) offsets(%dma_start3A_50 : memref<100xi32, #tpu.memory_space<vmem>>) semaphore(%arg14 : memref<!tpu.dma_semaphore, #tpu.memory_space<semaphore_mem>>)
    %dma_start3A_54 = arith.constant 5 : i32
    %dma_start3A_55 = arith.constant 100 : i32
    %dma_start3A_56 = arith.constant 0 : i32
    %dma_start3A_57 = tpu.memref_slice %arg9[%dma_start3A_55, %dma_start3A_56] : memref<200x64xf32, #tpu.memory_space<vmem>> -> memref<100x64xf32, #tpu.memory_space<vmem>>
    %dma_start3A_58 = arith.constant 0 : i32
    %dma_start3A_59 = tpu.memref_slice %arg6[%dma_start3A_54, %dma_start3A_58] : memref<256x100xi32, #tpu.memory_space<vmem>> -> memref<1x100xi32, #tpu.memory_space<vmem>>
    %dma_start3A_60 = tpu.memref_squeeze %dma_start3A_59 : memref<1x100xi32, #tpu.memory_space<vmem>> -> memref<100xi32, #tpu.memory_space<vmem>>
    %dma_start3A_61 = arith.constant 0 : i32
    %dma_start3A_62 = arith.constant 0 : i32
    %dma_start3A_63 = tpu.memref_slice %arg3[%dma_start3A_61, %dma_start3A_62] : memref<100000x64xf32, #tpu.memory_space<hbm>> -> memref<100000x64xf32, #tpu.memory_space<hbm>>
    tpu.enqueue_indirect_dma source(%dma_start3A_63 : memref<100000x64xf32, #tpu.memory_space<hbm>>) target(%dma_start3A_57 : memref<100x64xf32, #tpu.memory_space<vmem>>) offsets(%dma_start3A_60 : memref<100xi32, #tpu.memory_space<vmem>>) semaphore(%arg14 : memref<!tpu.dma_semaphore, #tpu.memory_space<semaphore_mem>>)
    %scan3A = arith.constant 0 : i32
    %scan3A_64 = arith.constant 32 : i32
    %scan3A_65 = arith.addi %scan3A, %scan3A_64 : i32
    %scan3A_66 = arith.constant 1 : i32
    scf.for %scan3A_99 = %scan3A to %scan3A_65 step %scan3A_66  : i32 {
      %mul3A_100 = arith.constant 4 : i32
      %mul3A_101 = arith.muli %scan3A_99, %mul3A_100 : i32
      %add3A_102 = arith.constant 0 : i32
      %add3A_103 = arith.addi %mul3A_101, %add3A_102 : i32
      %add3A_104 = arith.constant 4 : i32
      %add3A_105 = arith.addi %add3A_103, %add3A_104 : i32
      %sub3A = arith.constant 1 : i32
      %sub3A_106 = arith.subi %add3A_105, %sub3A : i32
      %lt3A = arith.constant 128 : i32
      %lt3A_107 = arith.cmpi slt, %sub3A_106, %lt3A : i32
      %ge3A = arith.constant 4 : i32
      %ge3A_108 = arith.cmpi sge, %sub3A_106, %ge3A : i32
      %and3A = arith.andi %lt3A_107, %ge3A_108 : i1
      %convert_element_type3A = arith.extui %and3A : i1 to i32
      %cond3A = arith.constant 0 : i32
      %cond3A_109 = arith.cmpi ne, %convert_element_type3A, %cond3A : i32
      scf.if %cond3A_109 {
        %dma_wait3A_266 = arith.constant 0 : i32
        %dma_wait3A_267 = arith.constant 0 : i32
        %dma_wait3A_268 = tpu.memref_slice %arg5[%mul3A_4, %dma_wait3A_266, %dma_wait3A_267] : memref<4096x200x64xf32, #tpu.memory_space<hbm>> -> memref<1x200x64xf32, #tpu.memory_space<hbm>>
        %dma_wait3A_269 = tpu.memref_squeeze %dma_wait3A_268 : memref<1x200x64xf32, #tpu.memory_space<hbm>> -> memref<200x64xf32, #tpu.memory_space<hbm>>
        %dma_wait3A_270 = arith.constant 0 : i32
        %dma_wait3A_271 = arith.constant 0 : i32
        %dma_wait3A_272 = tpu.memref_slice %arg5[%mul3A_4, %dma_wait3A_270, %dma_wait3A_271] : memref<4096x200x64xf32, #tpu.memory_space<hbm>> -> memref<1x200x64xf32, #tpu.memory_space<hbm>>
        %dma_wait3A_273 = tpu.memref_squeeze %dma_wait3A_272 : memref<1x200x64xf32, #tpu.memory_space<hbm>> -> memref<200x64xf32, #tpu.memory_space<hbm>>
        tpu.wait_dma2 semaphore(%arg19 : memref<!tpu.dma_semaphore, #tpu.memory_space<semaphore_mem>>) src(%arg10 : memref<200x64xf32, #tpu.memory_space<vmem>>) dst(%dma_wait3A_273 : memref<200x64xf32, #tpu.memory_space<hbm>>)
      } else {
      }
      %lt3A_110 = arith.constant 128 : i32
      %lt3A_111 = arith.cmpi slt, %sub3A_106, %lt3A_110 : i32
      %convert_element_type3A_112 = arith.extui %lt3A_111 : i1 to i32
      %cond3A_113 = arith.constant 0 : i32
      %cond3A_114 = arith.cmpi ne, %convert_element_type3A_112, %cond3A_113 : i32
      scf.if %cond3A_114 {
        %mul3A_266 = arith.constant 2 : i32
        %mul3A_267 = arith.muli %sub3A_106, %mul3A_266 : i32
        %dma_start3A_268 = arith.constant 0 : i32
        %dma_start3A_269 = arith.constant 0 : i32
        %dma_start3A_270 = tpu.memref_slice %arg10[%dma_start3A_268, %dma_start3A_269] : memref<200x64xf32, #tpu.memory_space<vmem>> -> memref<100x64xf32, #tpu.memory_space<vmem>>
        %dma_start3A_271 = arith.constant 0 : i32
        %dma_start3A_272 = tpu.memref_slice %arg6[%mul3A_267, %dma_start3A_271] : memref<256x100xi32, #tpu.memory_space<vmem>> -> memref<1x100xi32, #tpu.memory_space<vmem>>
        %dma_start3A_273 = tpu.memref_squeeze %dma_start3A_272 : memref<1x100xi32, #tpu.memory_space<vmem>> -> memref<100xi32, #tpu.memory_space<vmem>>
        %dma_start3A_274 = arith.constant 0 : i32
        %dma_start3A_275 = arith.constant 0 : i32
        %dma_start3A_276 = tpu.memref_slice %arg3[%dma_start3A_274, %dma_start3A_275] : memref<100000x64xf32, #tpu.memory_space<hbm>> -> memref<100000x64xf32, #tpu.memory_space<hbm>>
        tpu.enqueue_indirect_dma source(%dma_start3A_276 : memref<100000x64xf32, #tpu.memory_space<hbm>>) target(%dma_start3A_270 : memref<100x64xf32, #tpu.memory_space<vmem>>) offsets(%dma_start3A_273 : memref<100xi32, #tpu.memory_space<vmem>>) semaphore(%arg15 : memref<!tpu.dma_semaphore, #tpu.memory_space<semaphore_mem>>)
        %add3A_277 = arith.constant 1 : i32
        %add3A_278 = arith.addi %mul3A_267, %add3A_277 : i32
        %dma_start3A_279 = arith.constant 100 : i32
        %dma_start3A_280 = arith.constant 0 : i32
        %dma_start3A_281 = tpu.memref_slice %arg10[%dma_start3A_279, %dma_start3A_280] : memref<200x64xf32, #tpu.memory_space<vmem>> -> memref<100x64xf32, #tpu.memory_space<vmem>>
        %dma_start3A_282 = arith.constant 0 : i32
        %dma_start3A_283 = tpu.memref_slice %arg6[%add3A_278, %dma_start3A_282] : memref<256x100xi32, #tpu.memory_space<vmem>> -> memref<1x100xi32, #tpu.memory_space<vmem>>
        %dma_start3A_284 = tpu.memref_squeeze %dma_start3A_283 : memref<1x100xi32, #tpu.memory_space<vmem>> -> memref<100xi32, #tpu.memory_space<vmem>>
        %dma_start3A_285 = arith.constant 0 : i32
        %dma_start3A_286 = arith.constant 0 : i32
        %dma_start3A_287 = tpu.memref_slice %arg3[%dma_start3A_285, %dma_start3A_286] : memref<100000x64xf32, #tpu.memory_space<hbm>> -> memref<100000x64xf32, #tpu.memory_space<hbm>>
        tpu.enqueue_indirect_dma source(%dma_start3A_287 : memref<100000x64xf32, #tpu.memory_space<hbm>>) target(%dma_start3A_281 : memref<100x64xf32, #tpu.memory_space<vmem>>) offsets(%dma_start3A_284 : memref<100xi32, #tpu.memory_space<vmem>>) semaphore(%arg15 : memref<!tpu.dma_semaphore, #tpu.memory_space<semaphore_mem>>)
      } else {
      }
      %dma_wait3A_115 = arith.constant 0 : i32
      %dma_wait3A_116 = arith.constant 0 : i32
      %dma_wait3A_117 = tpu.memref_slice %arg5[%mul3A_4, %dma_wait3A_115, %dma_wait3A_116] : memref<4096x200x64xf32, #tpu.memory_space<hbm>> -> memref<1x200x64xf32, #tpu.memory_space<hbm>>
      %dma_wait3A_118 = tpu.memref_squeeze %dma_wait3A_117 : memref<1x200x64xf32, #tpu.memory_space<hbm>> -> memref<200x64xf32, #tpu.memory_space<hbm>>
      %dma_wait3A_119 = arith.constant 0 : i32
      %dma_wait3A_120 = arith.constant 0 : i32
      %dma_wait3A_121 = tpu.memref_slice %arg5[%mul3A_4, %dma_wait3A_119, %dma_wait3A_120] : memref<4096x200x64xf32, #tpu.memory_space<hbm>> -> memref<1x200x64xf32, #tpu.memory_space<hbm>>
      %dma_wait3A_122 = tpu.memref_squeeze %dma_wait3A_121 : memref<1x200x64xf32, #tpu.memory_space<hbm>> -> memref<200x64xf32, #tpu.memory_space<hbm>>
      tpu.wait_dma2 semaphore(%arg12 : memref<!tpu.dma_semaphore, #tpu.memory_space<semaphore_mem>>) src(%dma_wait3A_122 : memref<200x64xf32, #tpu.memory_space<hbm>>) dst(%arg7 : memref<200x64xf32, #tpu.memory_space<vmem>>)
      %scan3A_123 = arith.constant 0 : i32
      %scan3A_124 = arith.constant 200 : i32
      %scan3A_125 = arith.addi %scan3A_123, %scan3A_124 : i32
      %scan3A_126 = arith.constant 4 : i32
      scf.for %scan3A_266 = %scan3A_123 to %scan3A_125 step %scan3A_126  : i32 {
        %get3A = arith.index_cast %scan3A_266 : i32 to index
        %get3A_267 = arith.constant 0 : index
        %get3A_268 = tpu.vector_load %arg11[%get3A, %get3A_267] {strides = array<i32>} : memref<200x64xf32, #tpu.memory_space<vmem>>, vector<1x16xf32>,
        %get3A_269 = vector.shape_cast %get3A_268 : vector<1x16xf32> to vector<16xf32>
        %swap3A = arith.index_cast %scan3A_266 : i32 to index
        %swap3A_270 = arith.constant 0 : index
        %swap3A_271 = tpu.vector_load %arg7[%swap3A, %swap3A_270] {strides = array<i32>} : memref<200x64xf32, #tpu.memory_space<vmem>>, vector<1x16xf32>,
        %swap3A_272 = vector.shape_cast %swap3A_271 : vector<1x16xf32> to vector<16xf32>
        %swap3A_273 = vector.shape_cast %get3A_269 : vector<16xf32> to vector<1x16xf32>
        tpu.vector_store %arg7[%swap3A, %swap3A_270], %swap3A_273 {add = true, strides = array<i32>} : memref<200x64xf32, #tpu.memory_space<vmem>>, vector<1x16xf32>,
        %get3A_274 = arith.index_cast %scan3A_266 : i32 to index
        %get3A_275 = arith.constant 16 : index
        %get3A_276 = tpu.vector_load %arg11[%get3A_274, %get3A_275] {strides = array<i32>} : memref<200x64xf32, #tpu.memory_space<vmem>>, vector<1x16xf32>,
        %get3A_277 = vector.shape_cast %get3A_276 : vector<1x16xf32> to vector<16xf32>
        %swap3A_278 = arith.index_cast %scan3A_266 : i32 to index
        %swap3A_279 = arith.constant 16 : index
        %swap3A_280 = tpu.vector_load %arg7[%swap3A_278, %swap3A_279] {strides = array<i32>} : memref<200x64xf32, #tpu.memory_space<vmem>>, vector<1x16xf32>,
        %swap3A_281 = vector.shape_cast %swap3A_280 : vector<1x16xf32> to vector<16xf32>
        %swap3A_282 = vector.shape_cast %get3A_277 : vector<16xf32> to vector<1x16xf32>
        tpu.vector_store %arg7[%swap3A_278, %swap3A_279], %swap3A_282 {add = true, strides = array<i32>} : memref<200x64xf32, #tpu.memory_space<vmem>>, vector<1x16xf32>,
        %get3A_283 = arith.index_cast %scan3A_266 : i32 to index
        %get3A_284 = arith.constant 32 : index
        %get3A_285 = tpu.vector_load %arg11[%get3A_283, %get3A_284] {strides = array<i32>} : memref<200x64xf32, #tpu.memory_space<vmem>>, vector<1x16xf32>,
        %get3A_286 = vector.shape_cast %get3A_285 : vector<1x16xf32> to vector<16xf32>
        %swap3A_287 = arith.index_cast %scan3A_266 : i32 to index
        %swap3A_288 = arith.constant 32 : index
        %swap3A_289 = tpu.vector_load %arg7[%swap3A_287, %swap3A_288] {strides = array<i32>} : memref<200x64xf32, #tpu.memory_space<vmem>>, vector<1x16xf32>,
        %swap3A_290 = vector.shape_cast %swap3A_289 : vector<1x16xf32> to vector<16xf32>
        %swap3A_291 = vector.shape_cast %get3A_286 : vector<16xf32> to vector<1x16xf32>
        tpu.vector_store %arg7[%swap3A_287, %swap3A_288], %swap3A_291 {add = true, strides = array<i32>} : memref<200x64xf32, #tpu.memory_space<vmem>>, vector<1x16xf32>,
        %get3A_292 = arith.index_cast %scan3A_266 : i32 to index
        %get3A_293 = arith.constant 48 : index
        %get3A_294 = tpu.vector_load %arg11[%get3A_292, %get3A_293] {strides = array<i32>} : memref<200x64xf32, #tpu.memory_space<vmem>>, vector<1x16xf32>,
        %get3A_295 = vector.shape_cast %get3A_294 : vector<1x16xf32> to vector<16xf32>
        %swap3A_296 = arith.index_cast %scan3A_266 : i32 to index
        %swap3A_297 = arith.constant 48 : index
        %swap3A_298 = tpu.vector_load %arg7[%swap3A_296, %swap3A_297] {strides = array<i32>} : memref<200x64xf32, #tpu.memory_space<vmem>>, vector<1x16xf32>,
        %swap3A_299 = vector.shape_cast %swap3A_298 : vector<1x16xf32> to vector<16xf32>
        %swap3A_300 = vector.shape_cast %get3A_295 : vector<16xf32> to vector<1x16xf32>
        tpu.vector_store %arg7[%swap3A_296, %swap3A_297], %swap3A_300 {add = true, strides = array<i32>} : memref<200x64xf32, #tpu.memory_space<vmem>>, vector<1x16xf32>,
        %scan3A_301 = arith.constant 1 : i32
        %scan3A_302 = arith.addi %scan3A_266, %scan3A_301 : i32
        %get3A_303 = arith.index_cast %scan3A_302 : i32 to index
        %get3A_304 = arith.constant 0 : index
        %get3A_305 = tpu.vector_load %arg11[%get3A_303, %get3A_304] {strides = array<i32>} : memref<200x64xf32, #tpu.memory_space<vmem>>, vector<1x16xf32>,
        %get3A_306 = vector.shape_cast %get3A_305 : vector<1x16xf32> to vector<16xf32>
        %swap3A_307 = arith.index_cast %scan3A_302 : i32 to index
        %swap3A_308 = arith.constant 0 : index
        %swap3A_309 = tpu.vector_load %arg7[%swap3A_307, %swap3A_308] {strides = array<i32>} : memref<200x64xf32, #tpu.memory_space<vmem>>, vector<1x16xf32>,
        %swap3A_310 = vector.shape_cast %swap3A_309 : vector<1x16xf32> to vector<16xf32>
        %swap3A_311 = vector.shape_cast %get3A_306 : vector<16xf32> to vector<1x16xf32>
        tpu.vector_store %arg7[%swap3A_307, %swap3A_308], %swap3A_311 {add = true, strides = array<i32>} : memref<200x64xf32, #tpu.memory_space<vmem>>, vector<1x16xf32>,
        %get3A_312 = arith.index_cast %scan3A_302 : i32 to index
        %get3A_313 = arith.constant 16 : index
        %get3A_314 = tpu.vector_load %arg11[%get3A_312, %get3A_313] {strides = array<i32>} : memref<200x64xf32, #tpu.memory_space<vmem>>, vector<1x16xf32>,
        %get3A_315 = vector.shape_cast %get3A_314 : vector<1x16xf32> to vector<16xf32>
        %swap3A_316 = arith.index_cast %scan3A_302 : i32 to index
        %swap3A_317 = arith.constant 16 : index
        %swap3A_318 = tpu.vector_load %arg7[%swap3A_316, %swap3A_317] {strides = array<i32>} : memref<200x64xf32, #tpu.memory_space<vmem>>, vector<1x16xf32>,
        %swap3A_319 = vector.shape_cast %swap3A_318 : vector<1x16xf32> to vector<16xf32>
        %swap3A_320 = vector.shape_cast %get3A_315 : vector<16xf32> to vector<1x16xf32>
        tpu.vector_store %arg7[%swap3A_316, %swap3A_317], %swap3A_320 {add = true, strides = array<i32>} : memref<200x64xf32, #tpu.memory_space<vmem>>, vector<1x16xf32>,
        %get3A_321 = arith.index_cast %scan3A_302 : i32 to index
        %get3A_322 = arith.constant 32 : index
        %get3A_323 = tpu.vector_load %arg11[%get3A_321, %get3A_322] {strides = array<i32>} : memref<200x64xf32, #tpu.memory_space<vmem>>, vector<1x16xf32>,
        %get3A_324 = vector.shape_cast %get3A_323 : vector<1x16xf32> to vector<16xf32>
        %swap3A_325 = arith.index_cast %scan3A_302 : i32 to index
        %swap3A_326 = arith.constant 32 : index
        %swap3A_327 = tpu.vector_load %arg7[%swap3A_325, %swap3A_326] {strides = array<i32>} : memref<200x64xf32, #tpu.memory_space<vmem>>, vector<1x16xf32>,
        %swap3A_328 = vector.shape_cast %swap3A_327 : vector<1x16xf32> to vector<16xf32>
        %swap3A_329 = vector.shape_cast %get3A_324 : vector<16xf32> to vector<1x16xf32>
        tpu.vector_store %arg7[%swap3A_325, %swap3A_326], %swap3A_329 {add = true, strides = array<i32>} : memref<200x64xf32, #tpu.memory_space<vmem>>, vector<1x16xf32>,
        %get3A_330 = arith.index_cast %scan3A_302 : i32 to index
        %get3A_331 = arith.constant 48 : index
        %get3A_332 = tpu.vector_load %arg11[%get3A_330, %get3A_331] {strides = array<i32>} : memref<200x64xf32, #tpu.memory_space<vmem>>, vector<1x16xf32>,
        %get3A_333 = vector.shape_cast %get3A_332 : vector<1x16xf32> to vector<16xf32>
        %swap3A_334 = arith.index_cast %scan3A_302 : i32 to index
        %swap3A_335 = arith.constant 48 : index
        %swap3A_336 = tpu.vector_load %arg7[%swap3A_334, %swap3A_335] {strides = array<i32>} : memref<200x64xf32, #tpu.memory_space<vmem>>, vector<1x16xf32>,
        %swap3A_337 = vector.shape_cast %swap3A_336 : vector<1x16xf32> to vector<16xf32>
        %swap3A_338 = vector.shape_cast %get3A_333 : vector<16xf32> to vector<1x16xf32>
        tpu.vector_store %arg7[%swap3A_334, %swap3A_335], %swap3A_338 {add = true, strides = array<i32>} : memref<200x64xf32, #tpu.memory_space<vmem>>, vector<1x16xf32>,
        %scan3A_339 = arith.constant 2 : i32
        %scan3A_340 = arith.addi %scan3A_266, %scan3A_339 : i32
        %get3A_341 = arith.index_cast %scan3A_340 : i32 to index
        %get3A_342 = arith.constant 0 : index
        %get3A_343 = tpu.vector_load %arg11[%get3A_341, %get3A_342] {strides = array<i32>} : memref<200x64xf32, #tpu.memory_space<vmem>>, vector<1x16xf32>,
        %get3A_344 = vector.shape_cast %get3A_343 : vector<1x16xf32> to vector<16xf32>
        %swap3A_345 = arith.index_cast %scan3A_340 : i32 to index
        %swap3A_346 = arith.constant 0 : index
        %swap3A_347 = tpu.vector_load %arg7[%swap3A_345, %swap3A_346] {strides = array<i32>} : memref<200x64xf32, #tpu.memory_space<vmem>>, vector<1x16xf32>,
        %swap3A_348 = vector.shape_cast %swap3A_347 : vector<1x16xf32> to vector<16xf32>
        %swap3A_349 = vector.shape_cast %get3A_344 : vector<16xf32> to vector<1x16xf32>
        tpu.vector_store %arg7[%swap3A_345, %swap3A_346], %swap3A_349 {add = true, strides = array<i32>} : memref<200x64xf32, #tpu.memory_space<vmem>>, vector<1x16xf32>,
        %get3A_350 = arith.index_cast %scan3A_340 : i32 to index
        %get3A_351 = arith.constant 16 : index
        %get3A_352 = tpu.vector_load %arg11[%get3A_350, %get3A_351] {strides = array<i32>} : memref<200x64xf32, #tpu.memory_space<vmem>>, vector<1x16xf32>,
        %get3A_353 = vector.shape_cast %get3A_352 : vector<1x16xf32> to vector<16xf32>
        %swap3A_354 = arith.index_cast %scan3A_340 : i32 to index
        %swap3A_355 = arith.constant 16 : index
        %swap3A_356 = tpu.vector_load %arg7[%swap3A_354, %swap3A_355] {strides = array<i32>} : memref<200x64xf32, #tpu.memory_space<vmem>>, vector<1x16xf32>,
        %swap3A_357 = vector.shape_cast %swap3A_356 : vector<1x16xf32> to vector<16xf32>
        %swap3A_358 = vector.shape_cast %get3A_353 : vector<16xf32> to vector<1x16xf32>
        tpu.vector_store %arg7[%swap3A_354, %swap3A_355], %swap3A_358 {add = true, strides = array<i32>} : memref<200x64xf32, #tpu.memory_space<vmem>>, vector<1x16xf32>,
        %get3A_359 = arith.index_cast %scan3A_340 : i32 to index
        %get3A_360 = arith.constant 32 : index
        %get3A_361 = tpu.vector_load %arg11[%get3A_359, %get3A_360] {strides = array<i32>} : memref<200x64xf32, #tpu.memory_space<vmem>>, vector<1x16xf32>,
        %get3A_362 = vector.shape_cast %get3A_361 : vector<1x16xf32> to vector<16xf32>
        %swap3A_363 = arith.index_cast %scan3A_340 : i32 to index
        %swap3A_364 = arith.constant 32 : index
        %swap3A_365 = tpu.vector_load %arg7[%swap3A_363, %swap3A_364] {strides = array<i32>} : memref<200x64xf32, #tpu.memory_space<vmem>>, vector<1x16xf32>,
        %swap3A_366 = vector.shape_cast %swap3A_365 : vector<1x16xf32> to vector<16xf32>
        %swap3A_367 = vector.shape_cast %get3A_362 : vector<16xf32> to vector<1x16xf32>
        tpu.vector_store %arg7[%swap3A_363, %swap3A_364], %swap3A_367 {add = true, strides = array<i32>} : memref<200x64xf32, #tpu.memory_space<vmem>>, vector<1x16xf32>,
        %get3A_368 = arith.index_cast %scan3A_340 : i32 to index
        %get3A_369 = arith.constant 48 : index
        %get3A_370 = tpu.vector_load %arg11[%get3A_368, %get3A_369] {strides = array<i32>} : memref<200x64xf32, #tpu.memory_space<vmem>>, vector<1x16xf32>,
        %get3A_371 = vector.shape_cast %get3A_370 : vector<1x16xf32> to vector<16xf32>
        %swap3A_372 = arith.index_cast %scan3A_340 : i32 to index
        %swap3A_373 = arith.constant 48 : index
        %swap3A_374 = tpu.vector_load %arg7[%swap3A_372, %swap3A_373] {strides = array<i32>} : memref<200x64xf32, #tpu.memory_space<vmem>>, vector<1x16xf32>,
        %swap3A_375 = vector.shape_cast %swap3A_374 : vector<1x16xf32> to vector<16xf32>
        %swap3A_376 = vector.shape_cast %get3A_371 : vector<16xf32> to vector<1x16xf32>
        tpu.vector_store %arg7[%swap3A_372, %swap3A_373], %swap3A_376 {add = true, strides = array<i32>} : memref<200x64xf32, #tpu.memory_space<vmem>>, vector<1x16xf32>,
        %scan3A_377 = arith.constant 3 : i32
        %scan3A_378 = arith.addi %scan3A_266, %scan3A_377 : i32
        %get3A_379 = arith.index_cast %scan3A_378 : i32 to index
        %get3A_380 = arith.constant 0 : index
        %get3A_381 = tpu.vector_load %arg11[%get3A_379, %get3A_380] {strides = array<i32>} : memref<200x64xf32, #tpu.memory_space<vmem>>, vector<1x16xf32>,
        %get3A_382 = vector.shape_cast %get3A_381 : vector<1x16xf32> to vector<16xf32>
        %swap3A_383 = arith.index_cast %scan3A_378 : i32 to index
        %swap3A_384 = arith.constant 0 : index
        %swap3A_385 = tpu.vector_load %arg7[%swap3A_383, %swap3A_384] {strides = array<i32>} : memref<200x64xf32, #tpu.memory_space<vmem>>, vector<1x16xf32>,
        %swap3A_386 = vector.shape_cast %swap3A_385 : vector<1x16xf32> to vector<16xf32>
        %swap3A_387 = vector.shape_cast %get3A_382 : vector<16xf32> to vector<1x16xf32>
        tpu.vector_store %arg7[%swap3A_383, %swap3A_384], %swap3A_387 {add = true, strides = array<i32>} : memref<200x64xf32, #tpu.memory_space<vmem>>, vector<1x16xf32>,
        %get3A_388 = arith.index_cast %scan3A_378 : i32 to index
        %get3A_389 = arith.constant 16 : index
        %get3A_390 = tpu.vector_load %arg11[%get3A_388, %get3A_389] {strides = array<i32>} : memref<200x64xf32, #tpu.memory_space<vmem>>, vector<1x16xf32>,
        %get3A_391 = vector.shape_cast %get3A_390 : vector<1x16xf32> to vector<16xf32>
        %swap3A_392 = arith.index_cast %scan3A_378 : i32 to index
        %swap3A_393 = arith.constant 16 : index
        %swap3A_394 = tpu.vector_load %arg7[%swap3A_392, %swap3A_393] {strides = array<i32>} : memref<200x64xf32, #tpu.memory_space<vmem>>, vector<1x16xf32>,
        %swap3A_395 = vector.shape_cast %swap3A_394 : vector<1x16xf32> to vector<16xf32>
        %swap3A_396 = vector.shape_cast %get3A_391 : vector<16xf32> to vector<1x16xf32>
        tpu.vector_store %arg7[%swap3A_392, %swap3A_393], %swap3A_396 {add = true, strides = array<i32>} : memref<200x64xf32, #tpu.memory_space<vmem>>, vector<1x16xf32>,
        %get3A_397 = arith.index_cast %scan3A_378 : i32 to index
        %get3A_398 = arith.constant 32 : index
        %get3A_399 = tpu.vector_load %arg11[%get3A_397, %get3A_398] {strides = array<i32>} : memref<200x64xf32, #tpu.memory_space<vmem>>, vector<1x16xf32>,
        %get3A_400 = vector.shape_cast %get3A_399 : vector<1x16xf32> to vector<16xf32>
        %swap3A_401 = arith.index_cast %scan3A_378 : i32 to index
        %swap3A_402 = arith.constant 32 : index
        %swap3A_403 = tpu.vector_load %arg7[%swap3A_401, %swap3A_402] {strides = array<i32>} : memref<200x64xf32, #tpu.memory_space<vmem>>, vector<1x16xf32>,
        %swap3A_404 = vector.shape_cast %swap3A_403 : vector<1x16xf32> to vector<16xf32>
        %swap3A_405 = vector.shape_cast %get3A_400 : vector<16xf32> to vector<1x16xf32>
        tpu.vector_store %arg7[%swap3A_401, %swap3A_402], %swap3A_405 {add = true, strides = array<i32>} : memref<200x64xf32, #tpu.memory_space<vmem>>, vector<1x16xf32>,
        %get3A_406 = arith.index_cast %scan3A_378 : i32 to index
        %get3A_407 = arith.constant 48 : index
        %get3A_408 = tpu.vector_load %arg11[%get3A_406, %get3A_407] {strides = array<i32>} : memref<200x64xf32, #tpu.memory_space<vmem>>, vector<1x16xf32>,
        %get3A_409 = vector.shape_cast %get3A_408 : vector<1x16xf32> to vector<16xf32>
        %swap3A_410 = arith.index_cast %scan3A_378 : i32 to index
        %swap3A_411 = arith.constant 48 : index
        %swap3A_412 = tpu.vector_load %arg7[%swap3A_410, %swap3A_411] {strides = array<i32>} : memref<200x64xf32, #tpu.memory_space<vmem>>, vector<1x16xf32>,
        %swap3A_413 = vector.shape_cast %swap3A_412 : vector<1x16xf32> to vector<16xf32>
        %swap3A_414 = vector.shape_cast %get3A_409 : vector<16xf32> to vector<1x16xf32>
        tpu.vector_store %arg7[%swap3A_410, %swap3A_411], %swap3A_414 {add = true, strides = array<i32>} : memref<200x64xf32, #tpu.memory_space<vmem>>, vector<1x16xf32>,
      }
      %scan3A_127 = arith.constant 200 : i32
      %add3A_128 = arith.addi %mul3A_4, %add3A_103 : i32
      %dma_start3A_129 = arith.constant 0 : i32
      %dma_start3A_130 = arith.constant 0 : i32
      %dma_start3A_131 = tpu.memref_slice %arg5[%add3A_128, %dma_start3A_129, %dma_start3A_130] : memref<4096x200x64xf32, #tpu.memory_space<hbm>> -> memref<1x200x64xf32, #tpu.memory_space<hbm>>
      %dma_start3A_132 = tpu.memref_squeeze %dma_start3A_131 : memref<1x200x64xf32, #tpu.memory_space<hbm>> -> memref<200x64xf32, #tpu.memory_space<hbm>>
      %dma_start3A_133 = arith.constant 0 : i32
      %dma_start3A_134 = arith.constant 0 : i32
      %dma_start3A_135 = tpu.memref_slice %arg5[%add3A_128, %dma_start3A_133, %dma_start3A_134] : memref<4096x200x64xf32, #tpu.memory_space<hbm>> -> memref<1x200x64xf32, #tpu.memory_space<hbm>>
      %dma_start3A_136 = tpu.memref_squeeze %dma_start3A_135 : memref<1x200x64xf32, #tpu.memory_space<hbm>> -> memref<200x64xf32, #tpu.memory_space<hbm>>
      tpu.enqueue_dma source(%arg7 : memref<200x64xf32, #tpu.memory_space<vmem>>) target(%dma_start3A_136 : memref<200x64xf32, #tpu.memory_space<hbm>>) target_semaphore(%arg16 : memref<!tpu.dma_semaphore, #tpu.memory_space<semaphore_mem>>)
      %mul3A_137 = arith.constant 4 : i32
      %mul3A_138 = arith.muli %scan3A_99, %mul3A_137 : i32
      %add3A_139 = arith.constant 1 : i32
      %add3A_140 = arith.addi %mul3A_138, %add3A_139 : i32
      %add3A_141 = arith.constant 4 : i32
      %add3A_142 = arith.addi %add3A_140, %add3A_141 : i32
      %sub3A_143 = arith.constant 1 : i32
      %sub3A_144 = arith.subi %add3A_142, %sub3A_143 : i32
      %lt3A_145 = arith.constant 128 : i32
      %lt3A_146 = arith.cmpi slt, %sub3A_144, %lt3A_145 : i32
      %ge3A_147 = arith.constant 4 : i32
      %ge3A_148 = arith.cmpi sge, %sub3A_144, %ge3A_147 : i32
      %and3A_149 = arith.andi %lt3A_146, %ge3A_148 : i1
      %convert_element_type3A_150 = arith.extui %and3A_149 : i1 to i32
      %cond3A_151 = arith.constant 0 : i32
      %cond3A_152 = arith.cmpi ne, %convert_element_type3A_150, %cond3A_151 : i32
      scf.if %cond3A_152 {
        %dma_wait3A_266 = arith.constant 0 : i32
        %dma_wait3A_267 = arith.constant 0 : i32
        %dma_wait3A_268 = tpu.memref_slice %arg5[%mul3A_4, %dma_wait3A_266, %dma_wait3A_267] : memref<4096x200x64xf32, #tpu.memory_space<hbm>> -> memref<1x200x64xf32, #tpu.memory_space<hbm>>
        %dma_wait3A_269 = tpu.memref_squeeze %dma_wait3A_268 : memref<1x200x64xf32, #tpu.memory_space<hbm>> -> memref<200x64xf32, #tpu.memory_space<hbm>>
        %dma_wait3A_270 = arith.constant 0 : i32
        %dma_wait3A_271 = arith.constant 0 : i32
        %dma_wait3A_272 = tpu.memref_slice %arg5[%mul3A_4, %dma_wait3A_270, %dma_wait3A_271] : memref<4096x200x64xf32, #tpu.memory_space<hbm>> -> memref<1x200x64xf32, #tpu.memory_space<hbm>>
        %dma_wait3A_273 = tpu.memref_squeeze %dma_wait3A_272 : memref<1x200x64xf32, #tpu.memory_space<hbm>> -> memref<200x64xf32, #tpu.memory_space<hbm>>
        tpu.wait_dma2 semaphore(%arg16 : memref<!tpu.dma_semaphore, #tpu.memory_space<semaphore_mem>>) src(%arg7 : memref<200x64xf32, #tpu.memory_space<vmem>>) dst(%dma_wait3A_273 : memref<200x64xf32, #tpu.memory_space<hbm>>)
      } else {
      }
      %lt3A_153 = arith.constant 128 : i32
      %lt3A_154 = arith.cmpi slt, %sub3A_144, %lt3A_153 : i32
      %convert_element_type3A_155 = arith.extui %lt3A_154 : i1 to i32
      %cond3A_156 = arith.constant 0 : i32
      %cond3A_157 = arith.cmpi ne, %convert_element_type3A_155, %cond3A_156 : i32
      scf.if %cond3A_157 {
        %mul3A_266 = arith.constant 2 : i32
        %mul3A_267 = arith.muli %sub3A_144, %mul3A_266 : i32
        %dma_start3A_268 = arith.constant 0 : i32
        %dma_start3A_269 = arith.constant 0 : i32
        %dma_start3A_270 = tpu.memref_slice %arg7[%dma_start3A_268, %dma_start3A_269] : memref<200x64xf32, #tpu.memory_space<vmem>> -> memref<100x64xf32, #tpu.memory_space<vmem>>
        %dma_start3A_271 = arith.constant 0 : i32
        %dma_start3A_272 = tpu.memref_slice %arg6[%mul3A_267, %dma_start3A_271] : memref<256x100xi32, #tpu.memory_space<vmem>> -> memref<1x100xi32, #tpu.memory_space<vmem>>
        %dma_start3A_273 = tpu.memref_squeeze %dma_start3A_272 : memref<1x100xi32, #tpu.memory_space<vmem>> -> memref<100xi32, #tpu.memory_space<vmem>>
        %dma_start3A_274 = arith.constant 0 : i32
        %dma_start3A_275 = arith.constant 0 : i32
        %dma_start3A_276 = tpu.memref_slice %arg3[%dma_start3A_274, %dma_start3A_275] : memref<100000x64xf32, #tpu.memory_space<hbm>> -> memref<100000x64xf32, #tpu.memory_space<hbm>>
        tpu.enqueue_indirect_dma source(%dma_start3A_276 : memref<100000x64xf32, #tpu.memory_space<hbm>>) target(%dma_start3A_270 : memref<100x64xf32, #tpu.memory_space<vmem>>) offsets(%dma_start3A_273 : memref<100xi32, #tpu.memory_space<vmem>>) semaphore(%arg12 : memref<!tpu.dma_semaphore, #tpu.memory_space<semaphore_mem>>)
        %add3A_277 = arith.constant 1 : i32
        %add3A_278 = arith.addi %mul3A_267, %add3A_277 : i32
        %dma_start3A_279 = arith.constant 100 : i32
        %dma_start3A_280 = arith.constant 0 : i32
        %dma_start3A_281 = tpu.memref_slice %arg7[%dma_start3A_279, %dma_start3A_280] : memref<200x64xf32, #tpu.memory_space<vmem>> -> memref<100x64xf32, #tpu.memory_space<vmem>>
        %dma_start3A_282 = arith.constant 0 : i32
        %dma_start3A_283 = tpu.memref_slice %arg6[%add3A_278, %dma_start3A_282] : memref<256x100xi32, #tpu.memory_space<vmem>> -> memref<1x100xi32, #tpu.memory_space<vmem>>
        %dma_start3A_284 = tpu.memref_squeeze %dma_start3A_283 : memref<1x100xi32, #tpu.memory_space<vmem>> -> memref<100xi32, #tpu.memory_space<vmem>>
        %dma_start3A_285 = arith.constant 0 : i32
        %dma_start3A_286 = arith.constant 0 : i32
        %dma_start3A_287 = tpu.memref_slice %arg3[%dma_start3A_285, %dma_start3A_286] : memref<100000x64xf32, #tpu.memory_space<hbm>> -> memref<100000x64xf32, #tpu.memory_space<hbm>>
        tpu.enqueue_indirect_dma source(%dma_start3A_287 : memref<100000x64xf32, #tpu.memory_space<hbm>>) target(%dma_start3A_281 : memref<100x64xf32, #tpu.memory_space<vmem>>) offsets(%dma_start3A_284 : memref<100xi32, #tpu.memory_space<vmem>>) semaphore(%arg12 : memref<!tpu.dma_semaphore, #tpu.memory_space<semaphore_mem>>)
      } else {
      }
      %dma_wait3A_158 = arith.constant 0 : i32
      %dma_wait3A_159 = arith.constant 0 : i32
      %dma_wait3A_160 = tpu.memref_slice %arg5[%mul3A_4, %dma_wait3A_158, %dma_wait3A_159] : memref<4096x200x64xf32, #tpu.memory_space<hbm>> -> memref<1x200x64xf32, #tpu.memory_space<hbm>>
      %dma_wait3A_161 = tpu.memref_squeeze %dma_wait3A_160 : memref<1x200x64xf32, #tpu.memory_space<hbm>> -> memref<200x64xf32, #tpu.memory_space<hbm>>
      %dma_wait3A_162 = arith.constant 0 : i32
      %dma_wait3A_163 = arith.constant 0 : i32
      %dma_wait3A_164 = tpu.memref_slice %arg5[%mul3A_4, %dma_wait3A_162, %dma_wait3A_163] : memref<4096x200x64xf32, #tpu.memory_space<hbm>> -> memref<1x200x64xf32, #tpu.memory_space<hbm>>
      %dma_wait3A_165 = tpu.memref_squeeze %dma_wait3A_164 : memref<1x200x64xf32, #tpu.memory_space<hbm>> -> memref<200x64xf32, #tpu.memory_space<hbm>>
      tpu.wait_dma2 semaphore(%arg13 : memref<!tpu.dma_semaphore, #tpu.memory_space<semaphore_mem>>) src(%dma_wait3A_165 : memref<200x64xf32, #tpu.memory_space<hbm>>) dst(%arg8 : memref<200x64xf32, #tpu.memory_space<vmem>>)
      %scan3A_166 = arith.constant 0 : i32
      %scan3A_167 = arith.constant 200 : i32
      %scan3A_168 = arith.addi %scan3A_166, %scan3A_167 : i32
      %scan3A_169 = arith.constant 4 : i32
      scf.for %scan3A_266 = %scan3A_166 to %scan3A_168 step %scan3A_169  : i32 {
        %get3A = arith.index_cast %scan3A_266 : i32 to index
        %get3A_267 = arith.constant 0 : index
        %get3A_268 = tpu.vector_load %arg11[%get3A, %get3A_267] {strides = array<i32>} : memref<200x64xf32, #tpu.memory_space<vmem>>, vector<1x16xf32>,
        %get3A_269 = vector.shape_cast %get3A_268 : vector<1x16xf32> to vector<16xf32>
        %swap3A = arith.index_cast %scan3A_266 : i32 to index
        %swap3A_270 = arith.constant 0 : index
        %swap3A_271 = tpu.vector_load %arg8[%swap3A, %swap3A_270] {strides = array<i32>} : memref<200x64xf32, #tpu.memory_space<vmem>>, vector<1x16xf32>,
        %swap3A_272 = vector.shape_cast %swap3A_271 : vector<1x16xf32> to vector<16xf32>
        %swap3A_273 = vector.shape_cast %get3A_269 : vector<16xf32> to vector<1x16xf32>
        tpu.vector_store %arg8[%swap3A, %swap3A_270], %swap3A_273 {add = true, strides = array<i32>} : memref<200x64xf32, #tpu.memory_space<vmem>>, vector<1x16xf32>,
        %get3A_274 = arith.index_cast %scan3A_266 : i32 to index
        %get3A_275 = arith.constant 16 : index
        %get3A_276 = tpu.vector_load %arg11[%get3A_274, %get3A_275] {strides = array<i32>} : memref<200x64xf32, #tpu.memory_space<vmem>>, vector<1x16xf32>,
        %get3A_277 = vector.shape_cast %get3A_276 : vector<1x16xf32> to vector<16xf32>
        %swap3A_278 = arith.index_cast %scan3A_266 : i32 to index
        %swap3A_279 = arith.constant 16 : index
        %swap3A_280 = tpu.vector_load %arg8[%swap3A_278, %swap3A_279] {strides = array<i32>} : memref<200x64xf32, #tpu.memory_space<vmem>>, vector<1x16xf32>,
        %swap3A_281 = vector.shape_cast %swap3A_280 : vector<1x16xf32> to vector<16xf32>
        %swap3A_282 = vector.shape_cast %get3A_277 : vector<16xf32> to vector<1x16xf32>
        tpu.vector_store %arg8[%swap3A_278, %swap3A_279], %swap3A_282 {add = true, strides = array<i32>} : memref<200x64xf32, #tpu.memory_space<vmem>>, vector<1x16xf32>,
        %get3A_283 = arith.index_cast %scan3A_266 : i32 to index
        %get3A_284 = arith.constant 32 : index
        %get3A_285 = tpu.vector_load %arg11[%get3A_283, %get3A_284] {strides = array<i32>} : memref<200x64xf32, #tpu.memory_space<vmem>>, vector<1x16xf32>,
        %get3A_286 = vector.shape_cast %get3A_285 : vector<1x16xf32> to vector<16xf32>
        %swap3A_287 = arith.index_cast %scan3A_266 : i32 to index
        %swap3A_288 = arith.constant 32 : index
        %swap3A_289 = tpu.vector_load %arg8[%swap3A_287, %swap3A_288] {strides = array<i32>} : memref<200x64xf32, #tpu.memory_space<vmem>>, vector<1x16xf32>,
        %swap3A_290 = vector.shape_cast %swap3A_289 : vector<1x16xf32> to vector<16xf32>
        %swap3A_291 = vector.shape_cast %get3A_286 : vector<16xf32> to vector<1x16xf32>
        tpu.vector_store %arg8[%swap3A_287, %swap3A_288], %swap3A_291 {add = true, strides = array<i32>} : memref<200x64xf32, #tpu.memory_space<vmem>>, vector<1x16xf32>,
        %get3A_292 = arith.index_cast %scan3A_266 : i32 to index
        %get3A_293 = arith.constant 48 : index
        %get3A_294 = tpu.vector_load %arg11[%get3A_292, %get3A_293] {strides = array<i32>} : memref<200x64xf32, #tpu.memory_space<vmem>>, vector<1x16xf32>,
        %get3A_295 = vector.shape_cast %get3A_294 : vector<1x16xf32> to vector<16xf32>
        %swap3A_296 = arith.index_cast %scan3A_266 : i32 to index
        %swap3A_297 = arith.constant 48 : index
        %swap3A_298 = tpu.vector_load %arg8[%swap3A_296, %swap3A_297] {strides = array<i32>} : memref<200x64xf32, #tpu.memory_space<vmem>>, vector<1x16xf32>,
        %swap3A_299 = vector.shape_cast %swap3A_298 : vector<1x16xf32> to vector<16xf32>
        %swap3A_300 = vector.shape_cast %get3A_295 : vector<16xf32> to vector<1x16xf32>
        tpu.vector_store %arg8[%swap3A_296, %swap3A_297], %swap3A_300 {add = true, strides = array<i32>} : memref<200x64xf32, #tpu.memory_space<vmem>>, vector<1x16xf32>,
        %scan3A_301 = arith.constant 1 : i32
        %scan3A_302 = arith.addi %scan3A_266, %scan3A_301 : i32
        %get3A_303 = arith.index_cast %scan3A_302 : i32 to index
        %get3A_304 = arith.constant 0 : index
        %get3A_305 = tpu.vector_load %arg11[%get3A_303, %get3A_304] {strides = array<i32>} : memref<200x64xf32, #tpu.memory_space<vmem>>, vector<1x16xf32>,
        %get3A_306 = vector.shape_cast %get3A_305 : vector<1x16xf32> to vector<16xf32>
        %swap3A_307 = arith.index_cast %scan3A_302 : i32 to index
        %swap3A_308 = arith.constant 0 : index
        %swap3A_309 = tpu.vector_load %arg8[%swap3A_307, %swap3A_308] {strides = array<i32>} : memref<200x64xf32, #tpu.memory_space<vmem>>, vector<1x16xf32>,
        %swap3A_310 = vector.shape_cast %swap3A_309 : vector<1x16xf32> to vector<16xf32>
        %swap3A_311 = vector.shape_cast %get3A_306 : vector<16xf32> to vector<1x16xf32>
        tpu.vector_store %arg8[%swap3A_307, %swap3A_308], %swap3A_311 {add = true, strides = array<i32>} : memref<200x64xf32, #tpu.memory_space<vmem>>, vector<1x16xf32>,
        %get3A_312 = arith.index_cast %scan3A_302 : i32 to index
        %get3A_313 = arith.constant 16 : index
        %get3A_314 = tpu.vector_load %arg11[%get3A_312, %get3A_313] {strides = array<i32>} : memref<200x64xf32, #tpu.memory_space<vmem>>, vector<1x16xf32>,
        %get3A_315 = vector.shape_cast %get3A_314 : vector<1x16xf32> to vector<16xf32>
        %swap3A_316 = arith.index_cast %scan3A_302 : i32 to index
        %swap3A_317 = arith.constant 16 : index
        %swap3A_318 = tpu.vector_load %arg8[%swap3A_316, %swap3A_317] {strides = array<i32>} : memref<200x64xf32, #tpu.memory_space<vmem>>, vector<1x16xf32>,
        %swap3A_319 = vector.shape_cast %swap3A_318 : vector<1x16xf32> to vector<16xf32>
        %swap3A_320 = vector.shape_cast %get3A_315 : vector<16xf32> to vector<1x16xf32>
        tpu.vector_store %arg8[%swap3A_316, %swap3A_317], %swap3A_320 {add = true, strides = array<i32>} : memref<200x64xf32, #tpu.memory_space<vmem>>, vector<1x16xf32>,
        %get3A_321 = arith.index_cast %scan3A_302 : i32 to index
        %get3A_322 = arith.constant 32 : index
        %get3A_323 = tpu.vector_load %arg11[%get3A_321, %get3A_322] {strides = array<i32>} : memref<200x64xf32, #tpu.memory_space<vmem>>, vector<1x16xf32>,
        %get3A_324 = vector.shape_cast %get3A_323 : vector<1x16xf32> to vector<16xf32>
        %swap3A_325 = arith.index_cast %scan3A_302 : i32 to index
        %swap3A_326 = arith.constant 32 : index
        %swap3A_327 = tpu.vector_load %arg8[%swap3A_325, %swap3A_326] {strides = array<i32>} : memref<200x64xf32, #tpu.memory_space<vmem>>, vector<1x16xf32>,
        %swap3A_328 = vector.shape_cast %swap3A_327 : vector<1x16xf32> to vector<16xf32>
        %swap3A_329 = vector.shape_cast %get3A_324 : vector<16xf32> to vector<1x16xf32>
        tpu.vector_store %arg8[%swap3A_325, %swap3A_326], %swap3A_329 {add = true, strides = array<i32>} : memref<200x64xf32, #tpu.memory_space<vmem>>, vector<1x16xf32>,
        %get3A_330 = arith.index_cast %scan3A_302 : i32 to index
        %get3A_331 = arith.constant 48 : index
        %get3A_332 = tpu.vector_load %arg11[%get3A_330, %get3A_331] {strides = array<i32>} : memref<200x64xf32, #tpu.memory_space<vmem>>, vector<1x16xf32>,
        %get3A_333 = vector.shape_cast %get3A_332 : vector<1x16xf32> to vector<16xf32>
        %swap3A_334 = arith.index_cast %scan3A_302 : i32 to index
        %swap3A_335 = arith.constant 48 : index
        %swap3A_336 = tpu.vector_load %arg8[%swap3A_334, %swap3A_335] {strides = array<i32>} : memref<200x64xf32, #tpu.memory_space<vmem>>, vector<1x16xf32>,
        %swap3A_337 = vector.shape_cast %swap3A_336 : vector<1x16xf32> to vector<16xf32>
        %swap3A_338 = vector.shape_cast %get3A_333 : vector<16xf32> to vector<1x16xf32>
        tpu.vector_store %arg8[%swap3A_334, %swap3A_335], %swap3A_338 {add = true, strides = array<i32>} : memref<200x64xf32, #tpu.memory_space<vmem>>, vector<1x16xf32>,
        %scan3A_339 = arith.constant 2 : i32
        %scan3A_340 = arith.addi %scan3A_266, %scan3A_339 : i32
        %get3A_341 = arith.index_cast %scan3A_340 : i32 to index
        %get3A_342 = arith.constant 0 : index
        %get3A_343 = tpu.vector_load %arg11[%get3A_341, %get3A_342] {strides = array<i32>} : memref<200x64xf32, #tpu.memory_space<vmem>>, vector<1x16xf32>,
        %get3A_344 = vector.shape_cast %get3A_343 : vector<1x16xf32> to vector<16xf32>
        %swap3A_345 = arith.index_cast %scan3A_340 : i32 to index
        %swap3A_346 = arith.constant 0 : index
        %swap3A_347 = tpu.vector_load %arg8[%swap3A_345, %swap3A_346] {strides = array<i32>} : memref<200x64xf32, #tpu.memory_space<vmem>>, vector<1x16xf32>,
        %swap3A_348 = vector.shape_cast %swap3A_347 : vector<1x16xf32> to vector<16xf32>
        %swap3A_349 = vector.shape_cast %get3A_344 : vector<16xf32> to vector<1x16xf32>
        tpu.vector_store %arg8[%swap3A_345, %swap3A_346], %swap3A_349 {add = true, strides = array<i32>} : memref<200x64xf32, #tpu.memory_space<vmem>>, vector<1x16xf32>,
        %get3A_350 = arith.index_cast %scan3A_340 : i32 to index
        %get3A_351 = arith.constant 16 : index
        %get3A_352 = tpu.vector_load %arg11[%get3A_350, %get3A_351] {strides = array<i32>} : memref<200x64xf32, #tpu.memory_space<vmem>>, vector<1x16xf32>,
        %get3A_353 = vector.shape_cast %get3A_352 : vector<1x16xf32> to vector<16xf32>
        %swap3A_354 = arith.index_cast %scan3A_340 : i32 to index
        %swap3A_355 = arith.constant 16 : index
        %swap3A_356 = tpu.vector_load %arg8[%swap3A_354, %swap3A_355] {strides = array<i32>} : memref<200x64xf32, #tpu.memory_space<vmem>>, vector<1x16xf32>,
        %swap3A_357 = vector.shape_cast %swap3A_356 : vector<1x16xf32> to vector<16xf32>
        %swap3A_358 = vector.shape_cast %get3A_353 : vector<16xf32> to vector<1x16xf32>
        tpu.vector_store %arg8[%swap3A_354, %swap3A_355], %swap3A_358 {add = true, strides = array<i32>} : memref<200x64xf32, #tpu.memory_space<vmem>>, vector<1x16xf32>,
        %get3A_359 = arith.index_cast %scan3A_340 : i32 to index
        %get3A_360 = arith.constant 32 : index
        %get3A_361 = tpu.vector_load %arg11[%get3A_359, %get3A_360] {strides = array<i32>} : memref<200x64xf32, #tpu.memory_space<vmem>>, vector<1x16xf32>,
        %get3A_362 = vector.shape_cast %get3A_361 : vector<1x16xf32> to vector<16xf32>
        %swap3A_363 = arith.index_cast %scan3A_340 : i32 to index
        %swap3A_364 = arith.constant 32 : index
        %swap3A_365 = tpu.vector_load %arg8[%swap3A_363, %swap3A_364] {strides = array<i32>} : memref<200x64xf32, #tpu.memory_space<vmem>>, vector<1x16xf32>,
        %swap3A_366 = vector.shape_cast %swap3A_365 : vector<1x16xf32> to vector<16xf32>
        %swap3A_367 = vector.shape_cast %get3A_362 : vector<16xf32> to vector<1x16xf32>
        tpu.vector_store %arg8[%swap3A_363, %swap3A_364], %swap3A_367 {add = true, strides = array<i32>} : memref<200x64xf32, #tpu.memory_space<vmem>>, vector<1x16xf32>,
        %get3A_368 = arith.index_cast %scan3A_340 : i32 to index
        %get3A_369 = arith.constant 48 : index
        %get3A_370 = tpu.vector_load %arg11[%get3A_368, %get3A_369] {strides = array<i32>} : memref<200x64xf32, #tpu.memory_space<vmem>>, vector<1x16xf32>,
        %get3A_371 = vector.shape_cast %get3A_370 : vector<1x16xf32> to vector<16xf32>
        %swap3A_372 = arith.index_cast %scan3A_340 : i32 to index
        %swap3A_373 = arith.constant 48 : index
        %swap3A_374 = tpu.vector_load %arg8[%swap3A_372, %swap3A_373] {strides = array<i32>} : memref<200x64xf32, #tpu.memory_space<vmem>>, vector<1x16xf32>,
        %swap3A_375 = vector.shape_cast %swap3A_374 : vector<1x16xf32> to vector<16xf32>
        %swap3A_376 = vector.shape_cast %get3A_371 : vector<16xf32> to vector<1x16xf32>
        tpu.vector_store %arg8[%swap3A_372, %swap3A_373], %swap3A_376 {add = true, strides = array<i32>} : memref<200x64xf32, #tpu.memory_space<vmem>>, vector<1x16xf32>,
        %scan3A_377 = arith.constant 3 : i32
        %scan3A_378 = arith.addi %scan3A_266, %scan3A_377 : i32
        %get3A_379 = arith.index_cast %scan3A_378 : i32 to index
        %get3A_380 = arith.constant 0 : index
        %get3A_381 = tpu.vector_load %arg11[%get3A_379, %get3A_380] {strides = array<i32>} : memref<200x64xf32, #tpu.memory_space<vmem>>, vector<1x16xf32>,
        %get3A_382 = vector.shape_cast %get3A_381 : vector<1x16xf32> to vector<16xf32>
        %swap3A_383 = arith.index_cast %scan3A_378 : i32 to index
        %swap3A_384 = arith.constant 0 : index
        %swap3A_385 = tpu.vector_load %arg8[%swap3A_383, %swap3A_384] {strides = array<i32>} : memref<200x64xf32, #tpu.memory_space<vmem>>, vector<1x16xf32>,
        %swap3A_386 = vector.shape_cast %swap3A_385 : vector<1x16xf32> to vector<16xf32>
        %swap3A_387 = vector.shape_cast %get3A_382 : vector<16xf32> to vector<1x16xf32>
        tpu.vector_store %arg8[%swap3A_383, %swap3A_384], %swap3A_387 {add = true, strides = array<i32>} : memref<200x64xf32, #tpu.memory_space<vmem>>, vector<1x16xf32>,
        %get3A_388 = arith.index_cast %scan3A_378 : i32 to index
        %get3A_389 = arith.constant 16 : index
        %get3A_390 = tpu.vector_load %arg11[%get3A_388, %get3A_389] {strides = array<i32>} : memref<200x64xf32, #tpu.memory_space<vmem>>, vector<1x16xf32>,
        %get3A_391 = vector.shape_cast %get3A_390 : vector<1x16xf32> to vector<16xf32>
        %swap3A_392 = arith.index_cast %scan3A_378 : i32 to index
        %swap3A_393 = arith.constant 16 : index
        %swap3A_394 = tpu.vector_load %arg8[%swap3A_392, %swap3A_393] {strides = array<i32>} : memref<200x64xf32, #tpu.memory_space<vmem>>, vector<1x16xf32>,
        %swap3A_395 = vector.shape_cast %swap3A_394 : vector<1x16xf32> to vector<16xf32>
        %swap3A_396 = vector.shape_cast %get3A_391 : vector<16xf32> to vector<1x16xf32>
        tpu.vector_store %arg8[%swap3A_392, %swap3A_393], %swap3A_396 {add = true, strides = array<i32>} : memref<200x64xf32, #tpu.memory_space<vmem>>, vector<1x16xf32>,
        %get3A_397 = arith.index_cast %scan3A_378 : i32 to index
        %get3A_398 = arith.constant 32 : index
        %get3A_399 = tpu.vector_load %arg11[%get3A_397, %get3A_398] {strides = array<i32>} : memref<200x64xf32, #tpu.memory_space<vmem>>, vector<1x16xf32>,
        %get3A_400 = vector.shape_cast %get3A_399 : vector<1x16xf32> to vector<16xf32>
        %swap3A_401 = arith.index_cast %scan3A_378 : i32 to index
        %swap3A_402 = arith.constant 32 : index
        %swap3A_403 = tpu.vector_load %arg8[%swap3A_401, %swap3A_402] {strides = array<i32>} : memref<200x64xf32, #tpu.memory_space<vmem>>, vector<1x16xf32>,
        %swap3A_404 = vector.shape_cast %swap3A_403 : vector<1x16xf32> to vector<16xf32>
        %swap3A_405 = vector.shape_cast %get3A_400 : vector<16xf32> to vector<1x16xf32>
        tpu.vector_store %arg8[%swap3A_401, %swap3A_402], %swap3A_405 {add = true, strides = array<i32>} : memref<200x64xf32, #tpu.memory_space<vmem>>, vector<1x16xf32>,
        %get3A_406 = arith.index_cast %scan3A_378 : i32 to index
        %get3A_407 = arith.constant 48 : index
        %get3A_408 = tpu.vector_load %arg11[%get3A_406, %get3A_407] {strides = array<i32>} : memref<200x64xf32, #tpu.memory_space<vmem>>, vector<1x16xf32>,
        %get3A_409 = vector.shape_cast %get3A_408 : vector<1x16xf32> to vector<16xf32>
        %swap3A_410 = arith.index_cast %scan3A_378 : i32 to index
        %swap3A_411 = arith.constant 48 : index
        %swap3A_412 = tpu.vector_load %arg8[%swap3A_410, %swap3A_411] {strides = array<i32>} : memref<200x64xf32, #tpu.memory_space<vmem>>, vector<1x16xf32>,
        %swap3A_413 = vector.shape_cast %swap3A_412 : vector<1x16xf32> to vector<16xf32>
        %swap3A_414 = vector.shape_cast %get3A_409 : vector<16xf32> to vector<1x16xf32>
        tpu.vector_store %arg8[%swap3A_410, %swap3A_411], %swap3A_414 {add = true, strides = array<i32>} : memref<200x64xf32, #tpu.memory_space<vmem>>, vector<1x16xf32>,
      }
      %scan3A_170 = arith.constant 200 : i32
      %add3A_171 = arith.addi %mul3A_4, %add3A_140 : i32
      %dma_start3A_172 = arith.constant 0 : i32
      %dma_start3A_173 = arith.constant 0 : i32
      %dma_start3A_174 = tpu.memref_slice %arg5[%add3A_171, %dma_start3A_172, %dma_start3A_173] : memref<4096x200x64xf32, #tpu.memory_space<hbm>> -> memref<1x200x64xf32, #tpu.memory_space<hbm>>
      %dma_start3A_175 = tpu.memref_squeeze %dma_start3A_174 : memref<1x200x64xf32, #tpu.memory_space<hbm>> -> memref<200x64xf32, #tpu.memory_space<hbm>>
      %dma_start3A_176 = arith.constant 0 : i32
      %dma_start3A_177 = arith.constant 0 : i32
      %dma_start3A_178 = tpu.memref_slice %arg5[%add3A_171, %dma_start3A_176, %dma_start3A_177] : memref<4096x200x64xf32, #tpu.memory_space<hbm>> -> memref<1x200x64xf32, #tpu.memory_space<hbm>>
      %dma_start3A_179 = tpu.memref_squeeze %dma_start3A_178 : memref<1x200x64xf32, #tpu.memory_space<hbm>> -> memref<200x64xf32, #tpu.memory_space<hbm>>
      tpu.enqueue_dma source(%arg8 : memref<200x64xf32, #tpu.memory_space<vmem>>) target(%dma_start3A_179 : memref<200x64xf32, #tpu.memory_space<hbm>>) target_semaphore(%arg17 : memref<!tpu.dma_semaphore, #tpu.memory_space<semaphore_mem>>)
      %mul3A_180 = arith.constant 4 : i32
      %mul3A_181 = arith.muli %scan3A_99, %mul3A_180 : i32
      %add3A_182 = arith.constant 2 : i32
      %add3A_183 = arith.addi %mul3A_181, %add3A_182 : i32
      %add3A_184 = arith.constant 4 : i32
      %add3A_185 = arith.addi %add3A_183, %add3A_184 : i32
      %sub3A_186 = arith.constant 1 : i32
      %sub3A_187 = arith.subi %add3A_185, %sub3A_186 : i32
      %lt3A_188 = arith.constant 128 : i32
      %lt3A_189 = arith.cmpi slt, %sub3A_187, %lt3A_188 : i32
      %ge3A_190 = arith.constant 4 : i32
      %ge3A_191 = arith.cmpi sge, %sub3A_187, %ge3A_190 : i32
      %and3A_192 = arith.andi %lt3A_189, %ge3A_191 : i1
      %convert_element_type3A_193 = arith.extui %and3A_192 : i1 to i32
      %cond3A_194 = arith.constant 0 : i32
      %cond3A_195 = arith.cmpi ne, %convert_element_type3A_193, %cond3A_194 : i32
      scf.if %cond3A_195 {
        %dma_wait3A_266 = arith.constant 0 : i32
        %dma_wait3A_267 = arith.constant 0 : i32
        %dma_wait3A_268 = tpu.memref_slice %arg5[%mul3A_4, %dma_wait3A_266, %dma_wait3A_267] : memref<4096x200x64xf32, #tpu.memory_space<hbm>> -> memref<1x200x64xf32, #tpu.memory_space<hbm>>
        %dma_wait3A_269 = tpu.memref_squeeze %dma_wait3A_268 : memref<1x200x64xf32, #tpu.memory_space<hbm>> -> memref<200x64xf32, #tpu.memory_space<hbm>>
        %dma_wait3A_270 = arith.constant 0 : i32
        %dma_wait3A_271 = arith.constant 0 : i32
        %dma_wait3A_272 = tpu.memref_slice %arg5[%mul3A_4, %dma_wait3A_270, %dma_wait3A_271] : memref<4096x200x64xf32, #tpu.memory_space<hbm>> -> memref<1x200x64xf32, #tpu.memory_space<hbm>>
        %dma_wait3A_273 = tpu.memref_squeeze %dma_wait3A_272 : memref<1x200x64xf32, #tpu.memory_space<hbm>> -> memref<200x64xf32, #tpu.memory_space<hbm>>
        tpu.wait_dma2 semaphore(%arg17 : memref<!tpu.dma_semaphore, #tpu.memory_space<semaphore_mem>>) src(%arg8 : memref<200x64xf32, #tpu.memory_space<vmem>>) dst(%dma_wait3A_273 : memref<200x64xf32, #tpu.memory_space<hbm>>)
      } else {
      }
      %lt3A_196 = arith.constant 128 : i32
      %lt3A_197 = arith.cmpi slt, %sub3A_187, %lt3A_196 : i32
      %convert_element_type3A_198 = arith.extui %lt3A_197 : i1 to i32
      %cond3A_199 = arith.constant 0 : i32
      %cond3A_200 = arith.cmpi ne, %convert_element_type3A_198, %cond3A_199 : i32
      scf.if %cond3A_200 {
        %mul3A_266 = arith.constant 2 : i32
        %mul3A_267 = arith.muli %sub3A_187, %mul3A_266 : i32
        %dma_start3A_268 = arith.constant 0 : i32
        %dma_start3A_269 = arith.constant 0 : i32
        %dma_start3A_270 = tpu.memref_slice %arg8[%dma_start3A_268, %dma_start3A_269] : memref<200x64xf32, #tpu.memory_space<vmem>> -> memref<100x64xf32, #tpu.memory_space<vmem>>
        %dma_start3A_271 = arith.constant 0 : i32
        %dma_start3A_272 = tpu.memref_slice %arg6[%mul3A_267, %dma_start3A_271] : memref<256x100xi32, #tpu.memory_space<vmem>> -> memref<1x100xi32, #tpu.memory_space<vmem>>
        %dma_start3A_273 = tpu.memref_squeeze %dma_start3A_272 : memref<1x100xi32, #tpu.memory_space<vmem>> -> memref<100xi32, #tpu.memory_space<vmem>>
        %dma_start3A_274 = arith.constant 0 : i32
        %dma_start3A_275 = arith.constant 0 : i32
        %dma_start3A_276 = tpu.memref_slice %arg3[%dma_start3A_274, %dma_start3A_275] : memref<100000x64xf32, #tpu.memory_space<hbm>> -> memref<100000x64xf32, #tpu.memory_space<hbm>>
        tpu.enqueue_indirect_dma source(%dma_start3A_276 : memref<100000x64xf32, #tpu.memory_space<hbm>>) target(%dma_start3A_270 : memref<100x64xf32, #tpu.memory_space<vmem>>) offsets(%dma_start3A_273 : memref<100xi32, #tpu.memory_space<vmem>>) semaphore(%arg13 : memref<!tpu.dma_semaphore, #tpu.memory_space<semaphore_mem>>)
        %add3A_277 = arith.constant 1 : i32
        %add3A_278 = arith.addi %mul3A_267, %add3A_277 : i32
        %dma_start3A_279 = arith.constant 100 : i32
        %dma_start3A_280 = arith.constant 0 : i32
        %dma_start3A_281 = tpu.memref_slice %arg8[%dma_start3A_279, %dma_start3A_280] : memref<200x64xf32, #tpu.memory_space<vmem>> -> memref<100x64xf32, #tpu.memory_space<vmem>>
        %dma_start3A_282 = arith.constant 0 : i32
        %dma_start3A_283 = tpu.memref_slice %arg6[%add3A_278, %dma_start3A_282] : memref<256x100xi32, #tpu.memory_space<vmem>> -> memref<1x100xi32, #tpu.memory_space<vmem>>
        %dma_start3A_284 = tpu.memref_squeeze %dma_start3A_283 : memref<1x100xi32, #tpu.memory_space<vmem>> -> memref<100xi32, #tpu.memory_space<vmem>>
        %dma_start3A_285 = arith.constant 0 : i32
        %dma_start3A_286 = arith.constant 0 : i32
        %dma_start3A_287 = tpu.memref_slice %arg3[%dma_start3A_285, %dma_start3A_286] : memref<100000x64xf32, #tpu.memory_space<hbm>> -> memref<100000x64xf32, #tpu.memory_space<hbm>>
        tpu.enqueue_indirect_dma source(%dma_start3A_287 : memref<100000x64xf32, #tpu.memory_space<hbm>>) target(%dma_start3A_281 : memref<100x64xf32, #tpu.memory_space<vmem>>) offsets(%dma_start3A_284 : memref<100xi32, #tpu.memory_space<vmem>>) semaphore(%arg13 : memref<!tpu.dma_semaphore, #tpu.memory_space<semaphore_mem>>)
      } else {
      }
      %dma_wait3A_201 = arith.constant 0 : i32
      %dma_wait3A_202 = arith.constant 0 : i32
      %dma_wait3A_203 = tpu.memref_slice %arg5[%mul3A_4, %dma_wait3A_201, %dma_wait3A_202] : memref<4096x200x64xf32, #tpu.memory_space<hbm>> -> memref<1x200x64xf32, #tpu.memory_space<hbm>>
      %dma_wait3A_204 = tpu.memref_squeeze %dma_wait3A_203 : memref<1x200x64xf32, #tpu.memory_space<hbm>> -> memref<200x64xf32, #tpu.memory_space<hbm>>
      %dma_wait3A_205 = arith.constant 0 : i32
      %dma_wait3A_206 = arith.constant 0 : i32
      %dma_wait3A_207 = tpu.memref_slice %arg5[%mul3A_4, %dma_wait3A_205, %dma_wait3A_206] : memref<4096x200x64xf32, #tpu.memory_space<hbm>> -> memref<1x200x64xf32, #tpu.memory_space<hbm>>
      %dma_wait3A_208 = tpu.memref_squeeze %dma_wait3A_207 : memref<1x200x64xf32, #tpu.memory_space<hbm>> -> memref<200x64xf32, #tpu.memory_space<hbm>>
      tpu.wait_dma2 semaphore(%arg14 : memref<!tpu.dma_semaphore, #tpu.memory_space<semaphore_mem>>) src(%dma_wait3A_208 : memref<200x64xf32, #tpu.memory_space<hbm>>) dst(%arg9 : memref<200x64xf32, #tpu.memory_space<vmem>>)
      %scan3A_209 = arith.constant 0 : i32
      %scan3A_210 = arith.constant 200 : i32
      %scan3A_211 = arith.addi %scan3A_209, %scan3A_210 : i32
      %scan3A_212 = arith.constant 4 : i32
      scf.for %scan3A_266 = %scan3A_209 to %scan3A_211 step %scan3A_212  : i32 {
        %get3A = arith.index_cast %scan3A_266 : i32 to index
        %get3A_267 = arith.constant 0 : index
        %get3A_268 = tpu.vector_load %arg11[%get3A, %get3A_267] {strides = array<i32>} : memref<200x64xf32, #tpu.memory_space<vmem>>, vector<1x16xf32>,
        %get3A_269 = vector.shape_cast %get3A_268 : vector<1x16xf32> to vector<16xf32>
        %swap3A = arith.index_cast %scan3A_266 : i32 to index
        %swap3A_270 = arith.constant 0 : index
        %swap3A_271 = tpu.vector_load %arg9[%swap3A, %swap3A_270] {strides = array<i32>} : memref<200x64xf32, #tpu.memory_space<vmem>>, vector<1x16xf32>,
        %swap3A_272 = vector.shape_cast %swap3A_271 : vector<1x16xf32> to vector<16xf32>
        %swap3A_273 = vector.shape_cast %get3A_269 : vector<16xf32> to vector<1x16xf32>
        tpu.vector_store %arg9[%swap3A, %swap3A_270], %swap3A_273 {add = true, strides = array<i32>} : memref<200x64xf32, #tpu.memory_space<vmem>>, vector<1x16xf32>,
        %get3A_274 = arith.index_cast %scan3A_266 : i32 to index
        %get3A_275 = arith.constant 16 : index
        %get3A_276 = tpu.vector_load %arg11[%get3A_274, %get3A_275] {strides = array<i32>} : memref<200x64xf32, #tpu.memory_space<vmem>>, vector<1x16xf32>,
        %get3A_277 = vector.shape_cast %get3A_276 : vector<1x16xf32> to vector<16xf32>
        %swap3A_278 = arith.index_cast %scan3A_266 : i32 to index
        %swap3A_279 = arith.constant 16 : index
        %swap3A_280 = tpu.vector_load %arg9[%swap3A_278, %swap3A_279] {strides = array<i32>} : memref<200x64xf32, #tpu.memory_space<vmem>>, vector<1x16xf32>,
        %swap3A_281 = vector.shape_cast %swap3A_280 : vector<1x16xf32> to vector<16xf32>
        %swap3A_282 = vector.shape_cast %get3A_277 : vector<16xf32> to vector<1x16xf32>
        tpu.vector_store %arg9[%swap3A_278, %swap3A_279], %swap3A_282 {add = true, strides = array<i32>} : memref<200x64xf32, #tpu.memory_space<vmem>>, vector<1x16xf32>,
        %get3A_283 = arith.index_cast %scan3A_266 : i32 to index
        %get3A_284 = arith.constant 32 : index
        %get3A_285 = tpu.vector_load %arg11[%get3A_283, %get3A_284] {strides = array<i32>} : memref<200x64xf32, #tpu.memory_space<vmem>>, vector<1x16xf32>,
        %get3A_286 = vector.shape_cast %get3A_285 : vector<1x16xf32> to vector<16xf32>
        %swap3A_287 = arith.index_cast %scan3A_266 : i32 to index
        %swap3A_288 = arith.constant 32 : index
        %swap3A_289 = tpu.vector_load %arg9[%swap3A_287, %swap3A_288] {strides = array<i32>} : memref<200x64xf32, #tpu.memory_space<vmem>>, vector<1x16xf32>,
        %swap3A_290 = vector.shape_cast %swap3A_289 : vector<1x16xf32> to vector<16xf32>
        %swap3A_291 = vector.shape_cast %get3A_286 : vector<16xf32> to vector<1x16xf32>
        tpu.vector_store %arg9[%swap3A_287, %swap3A_288], %swap3A_291 {add = true, strides = array<i32>} : memref<200x64xf32, #tpu.memory_space<vmem>>, vector<1x16xf32>,
        %get3A_292 = arith.index_cast %scan3A_266 : i32 to index
        %get3A_293 = arith.constant 48 : index
        %get3A_294 = tpu.vector_load %arg11[%get3A_292, %get3A_293] {strides = array<i32>} : memref<200x64xf32, #tpu.memory_space<vmem>>, vector<1x16xf32>,
        %get3A_295 = vector.shape_cast %get3A_294 : vector<1x16xf32> to vector<16xf32>
        %swap3A_296 = arith.index_cast %scan3A_266 : i32 to index
        %swap3A_297 = arith.constant 48 : index
        %swap3A_298 = tpu.vector_load %arg9[%swap3A_296, %swap3A_297] {strides = array<i32>} : memref<200x64xf32, #tpu.memory_space<vmem>>, vector<1x16xf32>,
        %swap3A_299 = vector.shape_cast %swap3A_298 : vector<1x16xf32> to vector<16xf32>
        %swap3A_300 = vector.shape_cast %get3A_295 : vector<16xf32> to vector<1x16xf32>
        tpu.vector_store %arg9[%swap3A_296, %swap3A_297], %swap3A_300 {add = true, strides = array<i32>} : memref<200x64xf32, #tpu.memory_space<vmem>>, vector<1x16xf32>,
        %scan3A_301 = arith.constant 1 : i32
        %scan3A_302 = arith.addi %scan3A_266, %scan3A_301 : i32
        %get3A_303 = arith.index_cast %scan3A_302 : i32 to index
        %get3A_304 = arith.constant 0 : index
        %get3A_305 = tpu.vector_load %arg11[%get3A_303, %get3A_304] {strides = array<i32>} : memref<200x64xf32, #tpu.memory_space<vmem>>, vector<1x16xf32>,
        %get3A_306 = vector.shape_cast %get3A_305 : vector<1x16xf32> to vector<16xf32>
        %swap3A_307 = arith.index_cast %scan3A_302 : i32 to index
        %swap3A_308 = arith.constant 0 : index
        %swap3A_309 = tpu.vector_load %arg9[%swap3A_307, %swap3A_308] {strides = array<i32>} : memref<200x64xf32, #tpu.memory_space<vmem>>, vector<1x16xf32>,
        %swap3A_310 = vector.shape_cast %swap3A_309 : vector<1x16xf32> to vector<16xf32>
        %swap3A_311 = vector.shape_cast %get3A_306 : vector<16xf32> to vector<1x16xf32>
        tpu.vector_store %arg9[%swap3A_307, %swap3A_308], %swap3A_311 {add = true, strides = array<i32>} : memref<200x64xf32, #tpu.memory_space<vmem>>, vector<1x16xf32>,
        %get3A_312 = arith.index_cast %scan3A_302 : i32 to index
        %get3A_313 = arith.constant 16 : index
        %get3A_314 = tpu.vector_load %arg11[%get3A_312, %get3A_313] {strides = array<i32>} : memref<200x64xf32, #tpu.memory_space<vmem>>, vector<1x16xf32>,
        %get3A_315 = vector.shape_cast %get3A_314 : vector<1x16xf32> to vector<16xf32>
        %swap3A_316 = arith.index_cast %scan3A_302 : i32 to index
        %swap3A_317 = arith.constant 16 : index
        %swap3A_318 = tpu.vector_load %arg9[%swap3A_316, %swap3A_317] {strides = array<i32>} : memref<200x64xf32, #tpu.memory_space<vmem>>, vector<1x16xf32>,
        %swap3A_319 = vector.shape_cast %swap3A_318 : vector<1x16xf32> to vector<16xf32>
        %swap3A_320 = vector.shape_cast %get3A_315 : vector<16xf32> to vector<1x16xf32>
        tpu.vector_store %arg9[%swap3A_316, %swap3A_317], %swap3A_320 {add = true, strides = array<i32>} : memref<200x64xf32, #tpu.memory_space<vmem>>, vector<1x16xf32>,
        %get3A_321 = arith.index_cast %scan3A_302 : i32 to index
        %get3A_322 = arith.constant 32 : index
        %get3A_323 = tpu.vector_load %arg11[%get3A_321, %get3A_322] {strides = array<i32>} : memref<200x64xf32, #tpu.memory_space<vmem>>, vector<1x16xf32>,
        %get3A_324 = vector.shape_cast %get3A_323 : vector<1x16xf32> to vector<16xf32>
        %swap3A_325 = arith.index_cast %scan3A_302 : i32 to index
        %swap3A_326 = arith.constant 32 : index
        %swap3A_327 = tpu.vector_load %arg9[%swap3A_325, %swap3A_326] {strides = array<i32>} : memref<200x64xf32, #tpu.memory_space<vmem>>, vector<1x16xf32>,
        %swap3A_328 = vector.shape_cast %swap3A_327 : vector<1x16xf32> to vector<16xf32>
        %swap3A_329 = vector.shape_cast %get3A_324 : vector<16xf32> to vector<1x16xf32>
        tpu.vector_store %arg9[%swap3A_325, %swap3A_326], %swap3A_329 {add = true, strides = array<i32>} : memref<200x64xf32, #tpu.memory_space<vmem>>, vector<1x16xf32>,
        %get3A_330 = arith.index_cast %scan3A_302 : i32 to index
        %get3A_331 = arith.constant 48 : index
        %get3A_332 = tpu.vector_load %arg11[%get3A_330, %get3A_331] {strides = array<i32>} : memref<200x64xf32, #tpu.memory_space<vmem>>, vector<1x16xf32>,
        %get3A_333 = vector.shape_cast %get3A_332 : vector<1x16xf32> to vector<16xf32>
        %swap3A_334 = arith.index_cast %scan3A_302 : i32 to index
        %swap3A_335 = arith.constant 48 : index
        %swap3A_336 = tpu.vector_load %arg9[%swap3A_334, %swap3A_335] {strides = array<i32>} : memref<200x64xf32, #tpu.memory_space<vmem>>, vector<1x16xf32>,
        %swap3A_337 = vector.shape_cast %swap3A_336 : vector<1x16xf32> to vector<16xf32>
        %swap3A_338 = vector.shape_cast %get3A_333 : vector<16xf32> to vector<1x16xf32>
        tpu.vector_store %arg9[%swap3A_334, %swap3A_335], %swap3A_338 {add = true, strides = array<i32>} : memref<200x64xf32, #tpu.memory_space<vmem>>, vector<1x16xf32>,
        %scan3A_339 = arith.constant 2 : i32
        %scan3A_340 = arith.addi %scan3A_266, %scan3A_339 : i32
        %get3A_341 = arith.index_cast %scan3A_340 : i32 to index
        %get3A_342 = arith.constant 0 : index
        %get3A_343 = tpu.vector_load %arg11[%get3A_341, %get3A_342] {strides = array<i32>} : memref<200x64xf32, #tpu.memory_space<vmem>>, vector<1x16xf32>,
        %get3A_344 = vector.shape_cast %get3A_343 : vector<1x16xf32> to vector<16xf32>
        %swap3A_345 = arith.index_cast %scan3A_340 : i32 to index
        %swap3A_346 = arith.constant 0 : index
        %swap3A_347 = tpu.vector_load %arg9[%swap3A_345, %swap3A_346] {strides = array<i32>} : memref<200x64xf32, #tpu.memory_space<vmem>>, vector<1x16xf32>,
        %swap3A_348 = vector.shape_cast %swap3A_347 : vector<1x16xf32> to vector<16xf32>
        %swap3A_349 = vector.shape_cast %get3A_344 : vector<16xf32> to vector<1x16xf32>
        tpu.vector_store %arg9[%swap3A_345, %swap3A_346], %swap3A_349 {add = true, strides = array<i32>} : memref<200x64xf32, #tpu.memory_space<vmem>>, vector<1x16xf32>,
        %get3A_350 = arith.index_cast %scan3A_340 : i32 to index
        %get3A_351 = arith.constant 16 : index
        %get3A_352 = tpu.vector_load %arg11[%get3A_350, %get3A_351] {strides = array<i32>} : memref<200x64xf32, #tpu.memory_space<vmem>>, vector<1x16xf32>,
        %get3A_353 = vector.shape_cast %get3A_352 : vector<1x16xf32> to vector<16xf32>
        %swap3A_354 = arith.index_cast %scan3A_340 : i32 to index
        %swap3A_355 = arith.constant 16 : index
        %swap3A_356 = tpu.vector_load %arg9[%swap3A_354, %swap3A_355] {strides = array<i32>} : memref<200x64xf32, #tpu.memory_space<vmem>>, vector<1x16xf32>,
        %swap3A_357 = vector.shape_cast %swap3A_356 : vector<1x16xf32> to vector<16xf32>
        %swap3A_358 = vector.shape_cast %get3A_353 : vector<16xf32> to vector<1x16xf32>
        tpu.vector_store %arg9[%swap3A_354, %swap3A_355], %swap3A_358 {add = true, strides = array<i32>} : memref<200x64xf32, #tpu.memory_space<vmem>>, vector<1x16xf32>,
        %get3A_359 = arith.index_cast %scan3A_340 : i32 to index
        %get3A_360 = arith.constant 32 : index
        %get3A_361 = tpu.vector_load %arg11[%get3A_359, %get3A_360] {strides = array<i32>} : memref<200x64xf32, #tpu.memory_space<vmem>>, vector<1x16xf32>,
        %get3A_362 = vector.shape_cast %get3A_361 : vector<1x16xf32> to vector<16xf32>
        %swap3A_363 = arith.index_cast %scan3A_340 : i32 to index
        %swap3A_364 = arith.constant 32 : index
        %swap3A_365 = tpu.vector_load %arg9[%swap3A_363, %swap3A_364] {strides = array<i32>} : memref<200x64xf32, #tpu.memory_space<vmem>>, vector<1x16xf32>,
        %swap3A_366 = vector.shape_cast %swap3A_365 : vector<1x16xf32> to vector<16xf32>
        %swap3A_367 = vector.shape_cast %get3A_362 : vector<16xf32> to vector<1x16xf32>
        tpu.vector_store %arg9[%swap3A_363, %swap3A_364], %swap3A_367 {add = true, strides = array<i32>} : memref<200x64xf32, #tpu.memory_space<vmem>>, vector<1x16xf32>,
        %get3A_368 = arith.index_cast %scan3A_340 : i32 to index
        %get3A_369 = arith.constant 48 : index
        %get3A_370 = tpu.vector_load %arg11[%get3A_368, %get3A_369] {strides = array<i32>} : memref<200x64xf32, #tpu.memory_space<vmem>>, vector<1x16xf32>,
        %get3A_371 = vector.shape_cast %get3A_370 : vector<1x16xf32> to vector<16xf32>
        %swap3A_372 = arith.index_cast %scan3A_340 : i32 to index
        %swap3A_373 = arith.constant 48 : index
        %swap3A_374 = tpu.vector_load %arg9[%swap3A_372, %swap3A_373] {strides = array<i32>} : memref<200x64xf32, #tpu.memory_space<vmem>>, vector<1x16xf32>,
        %swap3A_375 = vector.shape_cast %swap3A_374 : vector<1x16xf32> to vector<16xf32>
        %swap3A_376 = vector.shape_cast %get3A_371 : vector<16xf32> to vector<1x16xf32>
        tpu.vector_store %arg9[%swap3A_372, %swap3A_373], %swap3A_376 {add = true, strides = array<i32>} : memref<200x64xf32, #tpu.memory_space<vmem>>, vector<1x16xf32>,
        %scan3A_377 = arith.constant 3 : i32
        %scan3A_378 = arith.addi %scan3A_266, %scan3A_377 : i32
        %get3A_379 = arith.index_cast %scan3A_378 : i32 to index
        %get3A_380 = arith.constant 0 : index
        %get3A_381 = tpu.vector_load %arg11[%get3A_379, %get3A_380] {strides = array<i32>} : memref<200x64xf32, #tpu.memory_space<vmem>>, vector<1x16xf32>,
        %get3A_382 = vector.shape_cast %get3A_381 : vector<1x16xf32> to vector<16xf32>
        %swap3A_383 = arith.index_cast %scan3A_378 : i32 to index
        %swap3A_384 = arith.constant 0 : index
        %swap3A_385 = tpu.vector_load %arg9[%swap3A_383, %swap3A_384] {strides = array<i32>} : memref<200x64xf32, #tpu.memory_space<vmem>>, vector<1x16xf32>,
        %swap3A_386 = vector.shape_cast %swap3A_385 : vector<1x16xf32> to vector<16xf32>
        %swap3A_387 = vector.shape_cast %get3A_382 : vector<16xf32> to vector<1x16xf32>
        tpu.vector_store %arg9[%swap3A_383, %swap3A_384], %swap3A_387 {add = true, strides = array<i32>} : memref<200x64xf32, #tpu.memory_space<vmem>>, vector<1x16xf32>,
        %get3A_388 = arith.index_cast %scan3A_378 : i32 to index
        %get3A_389 = arith.constant 16 : index
        %get3A_390 = tpu.vector_load %arg11[%get3A_388, %get3A_389] {strides = array<i32>} : memref<200x64xf32, #tpu.memory_space<vmem>>, vector<1x16xf32>,
        %get3A_391 = vector.shape_cast %get3A_390 : vector<1x16xf32> to vector<16xf32>
        %swap3A_392 = arith.index_cast %scan3A_378 : i32 to index
        %swap3A_393 = arith.constant 16 : index
        %swap3A_394 = tpu.vector_load %arg9[%swap3A_392, %swap3A_393] {strides = array<i32>} : memref<200x64xf32, #tpu.memory_space<vmem>>, vector<1x16xf32>,
        %swap3A_395 = vector.shape_cast %swap3A_394 : vector<1x16xf32> to vector<16xf32>
        %swap3A_396 = vector.shape_cast %get3A_391 : vector<16xf32> to vector<1x16xf32>
        tpu.vector_store %arg9[%swap3A_392, %swap3A_393], %swap3A_396 {add = true, strides = array<i32>} : memref<200x64xf32, #tpu.memory_space<vmem>>, vector<1x16xf32>,
        %get3A_397 = arith.index_cast %scan3A_378 : i32 to index
        %get3A_398 = arith.constant 32 : index
        %get3A_399 = tpu.vector_load %arg11[%get3A_397, %get3A_398] {strides = array<i32>} : memref<200x64xf32, #tpu.memory_space<vmem>>, vector<1x16xf32>,
        %get3A_400 = vector.shape_cast %get3A_399 : vector<1x16xf32> to vector<16xf32>
        %swap3A_401 = arith.index_cast %scan3A_378 : i32 to index
        %swap3A_402 = arith.constant 32 : index
        %swap3A_403 = tpu.vector_load %arg9[%swap3A_401, %swap3A_402] {strides = array<i32>} : memref<200x64xf32, #tpu.memory_space<vmem>>, vector<1x16xf32>,
        %swap3A_404 = vector.shape_cast %swap3A_403 : vector<1x16xf32> to vector<16xf32>
        %swap3A_405 = vector.shape_cast %get3A_400 : vector<16xf32> to vector<1x16xf32>
        tpu.vector_store %arg9[%swap3A_401, %swap3A_402], %swap3A_405 {add = true, strides = array<i32>} : memref<200x64xf32, #tpu.memory_space<vmem>>, vector<1x16xf32>,
        %get3A_406 = arith.index_cast %scan3A_378 : i32 to index
        %get3A_407 = arith.constant 48 : index
        %get3A_408 = tpu.vector_load %arg11[%get3A_406, %get3A_407] {strides = array<i32>} : memref<200x64xf32, #tpu.memory_space<vmem>>, vector<1x16xf32>,
        %get3A_409 = vector.shape_cast %get3A_408 : vector<1x16xf32> to vector<16xf32>
        %swap3A_410 = arith.index_cast %scan3A_378 : i32 to index
        %swap3A_411 = arith.constant 48 : index
        %swap3A_412 = tpu.vector_load %arg9[%swap3A_410, %swap3A_411] {strides = array<i32>} : memref<200x64xf32, #tpu.memory_space<vmem>>, vector<1x16xf32>,
        %swap3A_413 = vector.shape_cast %swap3A_412 : vector<1x16xf32> to vector<16xf32>
        %swap3A_414 = vector.shape_cast %get3A_409 : vector<16xf32> to vector<1x16xf32>
        tpu.vector_store %arg9[%swap3A_410, %swap3A_411], %swap3A_414 {add = true, strides = array<i32>} : memref<200x64xf32, #tpu.memory_space<vmem>>, vector<1x16xf32>,
      }
      %scan3A_213 = arith.constant 200 : i32
      %add3A_214 = arith.addi %mul3A_4, %add3A_183 : i32
      %dma_start3A_215 = arith.constant 0 : i32
      %dma_start3A_216 = arith.constant 0 : i32
      %dma_start3A_217 = tpu.memref_slice %arg5[%add3A_214, %dma_start3A_215, %dma_start3A_216] : memref<4096x200x64xf32, #tpu.memory_space<hbm>> -> memref<1x200x64xf32, #tpu.memory_space<hbm>>
      %dma_start3A_218 = tpu.memref_squeeze %dma_start3A_217 : memref<1x200x64xf32, #tpu.memory_space<hbm>> -> memref<200x64xf32, #tpu.memory_space<hbm>>
      %dma_start3A_219 = arith.constant 0 : i32
      %dma_start3A_220 = arith.constant 0 : i32
      %dma_start3A_221 = tpu.memref_slice %arg5[%add3A_214, %dma_start3A_219, %dma_start3A_220] : memref<4096x200x64xf32, #tpu.memory_space<hbm>> -> memref<1x200x64xf32, #tpu.memory_space<hbm>>
      %dma_start3A_222 = tpu.memref_squeeze %dma_start3A_221 : memref<1x200x64xf32, #tpu.memory_space<hbm>> -> memref<200x64xf32, #tpu.memory_space<hbm>>
      tpu.enqueue_dma source(%arg9 : memref<200x64xf32, #tpu.memory_space<vmem>>) target(%dma_start3A_222 : memref<200x64xf32, #tpu.memory_space<hbm>>) target_semaphore(%arg18 : memref<!tpu.dma_semaphore, #tpu.memory_space<semaphore_mem>>)
      %mul3A_223 = arith.constant 4 : i32
      %mul3A_224 = arith.muli %scan3A_99, %mul3A_223 : i32
      %add3A_225 = arith.constant 3 : i32
      %add3A_226 = arith.addi %mul3A_224, %add3A_225 : i32
      %add3A_227 = arith.constant 4 : i32
      %add3A_228 = arith.addi %add3A_226, %add3A_227 : i32
      %sub3A_229 = arith.constant 1 : i32
      %sub3A_230 = arith.subi %add3A_228, %sub3A_229 : i32
      %lt3A_231 = arith.constant 128 : i32
      %lt3A_232 = arith.cmpi slt, %sub3A_230, %lt3A_231 : i32
      %ge3A_233 = arith.constant 4 : i32
      %ge3A_234 = arith.cmpi sge, %sub3A_230, %ge3A_233 : i32
      %and3A_235 = arith.andi %lt3A_232, %ge3A_234 : i1
      %convert_element_type3A_236 = arith.extui %and3A_235 : i1 to i32
      %cond3A_237 = arith.constant 0 : i32
      %cond3A_238 = arith.cmpi ne, %convert_element_type3A_236, %cond3A_237 : i32
      scf.if %cond3A_238 {
        %dma_wait3A_266 = arith.constant 0 : i32
        %dma_wait3A_267 = arith.constant 0 : i32
        %dma_wait3A_268 = tpu.memref_slice %arg5[%mul3A_4, %dma_wait3A_266, %dma_wait3A_267] : memref<4096x200x64xf32, #tpu.memory_space<hbm>> -> memref<1x200x64xf32, #tpu.memory_space<hbm>>
        %dma_wait3A_269 = tpu.memref_squeeze %dma_wait3A_268 : memref<1x200x64xf32, #tpu.memory_space<hbm>> -> memref<200x64xf32, #tpu.memory_space<hbm>>
        %dma_wait3A_270 = arith.constant 0 : i32
        %dma_wait3A_271 = arith.constant 0 : i32
        %dma_wait3A_272 = tpu.memref_slice %arg5[%mul3A_4, %dma_wait3A_270, %dma_wait3A_271] : memref<4096x200x64xf32, #tpu.memory_space<hbm>> -> memref<1x200x64xf32, #tpu.memory_space<hbm>>
        %dma_wait3A_273 = tpu.memref_squeeze %dma_wait3A_272 : memref<1x200x64xf32, #tpu.memory_space<hbm>> -> memref<200x64xf32, #tpu.memory_space<hbm>>
        tpu.wait_dma2 semaphore(%arg18 : memref<!tpu.dma_semaphore, #tpu.memory_space<semaphore_mem>>) src(%arg9 : memref<200x64xf32, #tpu.memory_space<vmem>>) dst(%dma_wait3A_273 : memref<200x64xf32, #tpu.memory_space<hbm>>)
      } else {
      }
      %lt3A_239 = arith.constant 128 : i32
      %lt3A_240 = arith.cmpi slt, %sub3A_230, %lt3A_239 : i32
      %convert_element_type3A_241 = arith.extui %lt3A_240 : i1 to i32
      %cond3A_242 = arith.constant 0 : i32
      %cond3A_243 = arith.cmpi ne, %convert_element_type3A_241, %cond3A_242 : i32
      scf.if %cond3A_243 {
        %mul3A_266 = arith.constant 2 : i32
        %mul3A_267 = arith.muli %sub3A_230, %mul3A_266 : i32
        %dma_start3A_268 = arith.constant 0 : i32
        %dma_start3A_269 = arith.constant 0 : i32
        %dma_start3A_270 = tpu.memref_slice %arg9[%dma_start3A_268, %dma_start3A_269] : memref<200x64xf32, #tpu.memory_space<vmem>> -> memref<100x64xf32, #tpu.memory_space<vmem>>
        %dma_start3A_271 = arith.constant 0 : i32
        %dma_start3A_272 = tpu.memref_slice %arg6[%mul3A_267, %dma_start3A_271] : memref<256x100xi32, #tpu.memory_space<vmem>> -> memref<1x100xi32, #tpu.memory_space<vmem>>
        %dma_start3A_273 = tpu.memref_squeeze %dma_start3A_272 : memref<1x100xi32, #tpu.memory_space<vmem>> -> memref<100xi32, #tpu.memory_space<vmem>>
        %dma_start3A_274 = arith.constant 0 : i32
        %dma_start3A_275 = arith.constant 0 : i32
        %dma_start3A_276 = tpu.memref_slice %arg3[%dma_start3A_274, %dma_start3A_275] : memref<100000x64xf32, #tpu.memory_space<hbm>> -> memref<100000x64xf32, #tpu.memory_space<hbm>>
        tpu.enqueue_indirect_dma source(%dma_start3A_276 : memref<100000x64xf32, #tpu.memory_space<hbm>>) target(%dma_start3A_270 : memref<100x64xf32, #tpu.memory_space<vmem>>) offsets(%dma_start3A_273 : memref<100xi32, #tpu.memory_space<vmem>>) semaphore(%arg14 : memref<!tpu.dma_semaphore, #tpu.memory_space<semaphore_mem>>)
        %add3A_277 = arith.constant 1 : i32
        %add3A_278 = arith.addi %mul3A_267, %add3A_277 : i32
        %dma_start3A_279 = arith.constant 100 : i32
        %dma_start3A_280 = arith.constant 0 : i32
        %dma_start3A_281 = tpu.memref_slice %arg9[%dma_start3A_279, %dma_start3A_280] : memref<200x64xf32, #tpu.memory_space<vmem>> -> memref<100x64xf32, #tpu.memory_space<vmem>>
        %dma_start3A_282 = arith.constant 0 : i32
        %dma_start3A_283 = tpu.memref_slice %arg6[%add3A_278, %dma_start3A_282] : memref<256x100xi32, #tpu.memory_space<vmem>> -> memref<1x100xi32, #tpu.memory_space<vmem>>
        %dma_start3A_284 = tpu.memref_squeeze %dma_start3A_283 : memref<1x100xi32, #tpu.memory_space<vmem>> -> memref<100xi32, #tpu.memory_space<vmem>>
        %dma_start3A_285 = arith.constant 0 : i32
        %dma_start3A_286 = arith.constant 0 : i32
        %dma_start3A_287 = tpu.memref_slice %arg3[%dma_start3A_285, %dma_start3A_286] : memref<100000x64xf32, #tpu.memory_space<hbm>> -> memref<100000x64xf32, #tpu.memory_space<hbm>>
        tpu.enqueue_indirect_dma source(%dma_start3A_287 : memref<100000x64xf32, #tpu.memory_space<hbm>>) target(%dma_start3A_281 : memref<100x64xf32, #tpu.memory_space<vmem>>) offsets(%dma_start3A_284 : memref<100xi32, #tpu.memory_space<vmem>>) semaphore(%arg14 : memref<!tpu.dma_semaphore, #tpu.memory_space<semaphore_mem>>)
      } else {
      }
      %dma_wait3A_244 = arith.constant 0 : i32
      %dma_wait3A_245 = arith.constant 0 : i32
      %dma_wait3A_246 = tpu.memref_slice %arg5[%mul3A_4, %dma_wait3A_244, %dma_wait3A_245] : memref<4096x200x64xf32, #tpu.memory_space<hbm>> -> memref<1x200x64xf32, #tpu.memory_space<hbm>>
      %dma_wait3A_247 = tpu.memref_squeeze %dma_wait3A_246 : memref<1x200x64xf32, #tpu.memory_space<hbm>> -> memref<200x64xf32, #tpu.memory_space<hbm>>
      %dma_wait3A_248 = arith.constant 0 : i32
      %dma_wait3A_249 = arith.constant 0 : i32
      %dma_wait3A_250 = tpu.memref_slice %arg5[%mul3A_4, %dma_wait3A_248, %dma_wait3A_249] : memref<4096x200x64xf32, #tpu.memory_space<hbm>> -> memref<1x200x64xf32, #tpu.memory_space<hbm>>
      %dma_wait3A_251 = tpu.memref_squeeze %dma_wait3A_250 : memref<1x200x64xf32, #tpu.memory_space<hbm>> -> memref<200x64xf32, #tpu.memory_space<hbm>>
      tpu.wait_dma2 semaphore(%arg15 : memref<!tpu.dma_semaphore, #tpu.memory_space<semaphore_mem>>) src(%dma_wait3A_251 : memref<200x64xf32, #tpu.memory_space<hbm>>) dst(%arg10 : memref<200x64xf32, #tpu.memory_space<vmem>>)
      %scan3A_252 = arith.constant 0 : i32
      %scan3A_253 = arith.constant 200 : i32
      %scan3A_254 = arith.addi %scan3A_252, %scan3A_253 : i32
      %scan3A_255 = arith.constant 4 : i32
      scf.for %scan3A_266 = %scan3A_252 to %scan3A_254 step %scan3A_255  : i32 {
        %get3A = arith.index_cast %scan3A_266 : i32 to index
        %get3A_267 = arith.constant 0 : index
        %get3A_268 = tpu.vector_load %arg11[%get3A, %get3A_267] {strides = array<i32>} : memref<200x64xf32, #tpu.memory_space<vmem>>, vector<1x16xf32>,
        %get3A_269 = vector.shape_cast %get3A_268 : vector<1x16xf32> to vector<16xf32>
        %swap3A = arith.index_cast %scan3A_266 : i32 to index
        %swap3A_270 = arith.constant 0 : index
        %swap3A_271 = tpu.vector_load %arg10[%swap3A, %swap3A_270] {strides = array<i32>} : memref<200x64xf32, #tpu.memory_space<vmem>>, vector<1x16xf32>,
        %swap3A_272 = vector.shape_cast %swap3A_271 : vector<1x16xf32> to vector<16xf32>
        %swap3A_273 = vector.shape_cast %get3A_269 : vector<16xf32> to vector<1x16xf32>
        tpu.vector_store %arg10[%swap3A, %swap3A_270], %swap3A_273 {add = true, strides = array<i32>} : memref<200x64xf32, #tpu.memory_space<vmem>>, vector<1x16xf32>,
        %get3A_274 = arith.index_cast %scan3A_266 : i32 to index
        %get3A_275 = arith.constant 16 : index
        %get3A_276 = tpu.vector_load %arg11[%get3A_274, %get3A_275] {strides = array<i32>} : memref<200x64xf32, #tpu.memory_space<vmem>>, vector<1x16xf32>,
        %get3A_277 = vector.shape_cast %get3A_276 : vector<1x16xf32> to vector<16xf32>
        %swap3A_278 = arith.index_cast %scan3A_266 : i32 to index
        %swap3A_279 = arith.constant 16 : index
        %swap3A_280 = tpu.vector_load %arg10[%swap3A_278, %swap3A_279] {strides = array<i32>} : memref<200x64xf32, #tpu.memory_space<vmem>>, vector<1x16xf32>,
        %swap3A_281 = vector.shape_cast %swap3A_280 : vector<1x16xf32> to vector<16xf32>
        %swap3A_282 = vector.shape_cast %get3A_277 : vector<16xf32> to vector<1x16xf32>
        tpu.vector_store %arg10[%swap3A_278, %swap3A_279], %swap3A_282 {add = true, strides = array<i32>} : memref<200x64xf32, #tpu.memory_space<vmem>>, vector<1x16xf32>,
        %get3A_283 = arith.index_cast %scan3A_266 : i32 to index
        %get3A_284 = arith.constant 32 : index
        %get3A_285 = tpu.vector_load %arg11[%get3A_283, %get3A_284] {strides = array<i32>} : memref<200x64xf32, #tpu.memory_space<vmem>>, vector<1x16xf32>,
        %get3A_286 = vector.shape_cast %get3A_285 : vector<1x16xf32> to vector<16xf32>
        %swap3A_287 = arith.index_cast %scan3A_266 : i32 to index
        %swap3A_288 = arith.constant 32 : index
        %swap3A_289 = tpu.vector_load %arg10[%swap3A_287, %swap3A_288] {strides = array<i32>} : memref<200x64xf32, #tpu.memory_space<vmem>>, vector<1x16xf32>,
        %swap3A_290 = vector.shape_cast %swap3A_289 : vector<1x16xf32> to vector<16xf32>
        %swap3A_291 = vector.shape_cast %get3A_286 : vector<16xf32> to vector<1x16xf32>
        tpu.vector_store %arg10[%swap3A_287, %swap3A_288], %swap3A_291 {add = true, strides = array<i32>} : memref<200x64xf32, #tpu.memory_space<vmem>>, vector<1x16xf32>,
        %get3A_292 = arith.index_cast %scan3A_266 : i32 to index
        %get3A_293 = arith.constant 48 : index
        %get3A_294 = tpu.vector_load %arg11[%get3A_292, %get3A_293] {strides = array<i32>} : memref<200x64xf32, #tpu.memory_space<vmem>>, vector<1x16xf32>,
        %get3A_295 = vector.shape_cast %get3A_294 : vector<1x16xf32> to vector<16xf32>
        %swap3A_296 = arith.index_cast %scan3A_266 : i32 to index
        %swap3A_297 = arith.constant 48 : index
        %swap3A_298 = tpu.vector_load %arg10[%swap3A_296, %swap3A_297] {strides = array<i32>} : memref<200x64xf32, #tpu.memory_space<vmem>>, vector<1x16xf32>,
        %swap3A_299 = vector.shape_cast %swap3A_298 : vector<1x16xf32> to vector<16xf32>
        %swap3A_300 = vector.shape_cast %get3A_295 : vector<16xf32> to vector<1x16xf32>
        tpu.vector_store %arg10[%swap3A_296, %swap3A_297], %swap3A_300 {add = true, strides = array<i32>} : memref<200x64xf32, #tpu.memory_space<vmem>>, vector<1x16xf32>,
        %scan3A_301 = arith.constant 1 : i32
        %scan3A_302 = arith.addi %scan3A_266, %scan3A_301 : i32
        %get3A_303 = arith.index_cast %scan3A_302 : i32 to index
        %get3A_304 = arith.constant 0 : index
        %get3A_305 = tpu.vector_load %arg11[%get3A_303, %get3A_304] {strides = array<i32>} : memref<200x64xf32, #tpu.memory_space<vmem>>, vector<1x16xf32>,
        %get3A_306 = vector.shape_cast %get3A_305 : vector<1x16xf32> to vector<16xf32>
        %swap3A_307 = arith.index_cast %scan3A_302 : i32 to index
        %swap3A_308 = arith.constant 0 : index
        %swap3A_309 = tpu.vector_load %arg10[%swap3A_307, %swap3A_308] {strides = array<i32>} : memref<200x64xf32, #tpu.memory_space<vmem>>, vector<1x16xf32>,
        %swap3A_310 = vector.shape_cast %swap3A_309 : vector<1x16xf32> to vector<16xf32>
        %swap3A_311 = vector.shape_cast %get3A_306 : vector<16xf32> to vector<1x16xf32>
        tpu.vector_store %arg10[%swap3A_307, %swap3A_308], %swap3A_311 {add = true, strides = array<i32>} : memref<200x64xf32, #tpu.memory_space<vmem>>, vector<1x16xf32>,
        %get3A_312 = arith.index_cast %scan3A_302 : i32 to index
        %get3A_313 = arith.constant 16 : index
        %get3A_314 = tpu.vector_load %arg11[%get3A_312, %get3A_313] {strides = array<i32>} : memref<200x64xf32, #tpu.memory_space<vmem>>, vector<1x16xf32>,
        %get3A_315 = vector.shape_cast %get3A_314 : vector<1x16xf32> to vector<16xf32>
        %swap3A_316 = arith.index_cast %scan3A_302 : i32 to index
        %swap3A_317 = arith.constant 16 : index
        %swap3A_318 = tpu.vector_load %arg10[%swap3A_316, %swap3A_317] {strides = array<i32>} : memref<200x64xf32, #tpu.memory_space<vmem>>, vector<1x16xf32>,
        %swap3A_319 = vector.shape_cast %swap3A_318 : vector<1x16xf32> to vector<16xf32>
        %swap3A_320 = vector.shape_cast %get3A_315 : vector<16xf32> to vector<1x16xf32>
        tpu.vector_store %arg10[%swap3A_316, %swap3A_317], %swap3A_320 {add = true, strides = array<i32>} : memref<200x64xf32, #tpu.memory_space<vmem>>, vector<1x16xf32>,
        %get3A_321 = arith.index_cast %scan3A_302 : i32 to index
        %get3A_322 = arith.constant 32 : index
        %get3A_323 = tpu.vector_load %arg11[%get3A_321, %get3A_322] {strides = array<i32>} : memref<200x64xf32, #tpu.memory_space<vmem>>, vector<1x16xf32>,
        %get3A_324 = vector.shape_cast %get3A_323 : vector<1x16xf32> to vector<16xf32>
        %swap3A_325 = arith.index_cast %scan3A_302 : i32 to index
        %swap3A_326 = arith.constant 32 : index
        %swap3A_327 = tpu.vector_load %arg10[%swap3A_325, %swap3A_326] {strides = array<i32>} : memref<200x64xf32, #tpu.memory_space<vmem>>, vector<1x16xf32>,
        %swap3A_328 = vector.shape_cast %swap3A_327 : vector<1x16xf32> to vector<16xf32>
        %swap3A_329 = vector.shape_cast %get3A_324 : vector<16xf32> to vector<1x16xf32>
        tpu.vector_store %arg10[%swap3A_325, %swap3A_326], %swap3A_329 {add = true, strides = array<i32>} : memref<200x64xf32, #tpu.memory_space<vmem>>, vector<1x16xf32>,
        %get3A_330 = arith.index_cast %scan3A_302 : i32 to index
        %get3A_331 = arith.constant 48 : index
        %get3A_332 = tpu.vector_load %arg11[%get3A_330, %get3A_331] {strides = array<i32>} : memref<200x64xf32, #tpu.memory_space<vmem>>, vector<1x16xf32>,
        %get3A_333 = vector.shape_cast %get3A_332 : vector<1x16xf32> to vector<16xf32>
        %swap3A_334 = arith.index_cast %scan3A_302 : i32 to index
        %swap3A_335 = arith.constant 48 : index
        %swap3A_336 = tpu.vector_load %arg10[%swap3A_334, %swap3A_335] {strides = array<i32>} : memref<200x64xf32, #tpu.memory_space<vmem>>, vector<1x16xf32>,
        %swap3A_337 = vector.shape_cast %swap3A_336 : vector<1x16xf32> to vector<16xf32>
        %swap3A_338 = vector.shape_cast %get3A_333 : vector<16xf32> to vector<1x16xf32>
        tpu.vector_store %arg10[%swap3A_334, %swap3A_335], %swap3A_338 {add = true, strides = array<i32>} : memref<200x64xf32, #tpu.memory_space<vmem>>, vector<1x16xf32>,
        %scan3A_339 = arith.constant 2 : i32
        %scan3A_340 = arith.addi %scan3A_266, %scan3A_339 : i32
        %get3A_341 = arith.index_cast %scan3A_340 : i32 to index
        %get3A_342 = arith.constant 0 : index
        %get3A_343 = tpu.vector_load %arg11[%get3A_341, %get3A_342] {strides = array<i32>} : memref<200x64xf32, #tpu.memory_space<vmem>>, vector<1x16xf32>,
        %get3A_344 = vector.shape_cast %get3A_343 : vector<1x16xf32> to vector<16xf32>
        %swap3A_345 = arith.index_cast %scan3A_340 : i32 to index
        %swap3A_346 = arith.constant 0 : index
        %swap3A_347 = tpu.vector_load %arg10[%swap3A_345, %swap3A_346] {strides = array<i32>} : memref<200x64xf32, #tpu.memory_space<vmem>>, vector<1x16xf32>,
        %swap3A_348 = vector.shape_cast %swap3A_347 : vector<1x16xf32> to vector<16xf32>
        %swap3A_349 = vector.shape_cast %get3A_344 : vector<16xf32> to vector<1x16xf32>
        tpu.vector_store %arg10[%swap3A_345, %swap3A_346], %swap3A_349 {add = true, strides = array<i32>} : memref<200x64xf32, #tpu.memory_space<vmem>>, vector<1x16xf32>,
        %get3A_350 = arith.index_cast %scan3A_340 : i32 to index
        %get3A_351 = arith.constant 16 : index
        %get3A_352 = tpu.vector_load %arg11[%get3A_350, %get3A_351] {strides = array<i32>} : memref<200x64xf32, #tpu.memory_space<vmem>>, vector<1x16xf32>,
        %get3A_353 = vector.shape_cast %get3A_352 : vector<1x16xf32> to vector<16xf32>
        %swap3A_354 = arith.index_cast %scan3A_340 : i32 to index
        %swap3A_355 = arith.constant 16 : index
        %swap3A_356 = tpu.vector_load %arg10[%swap3A_354, %swap3A_355] {strides = array<i32>} : memref<200x64xf32, #tpu.memory_space<vmem>>, vector<1x16xf32>,
        %swap3A_357 = vector.shape_cast %swap3A_356 : vector<1x16xf32> to vector<16xf32>
        %swap3A_358 = vector.shape_cast %get3A_353 : vector<16xf32> to vector<1x16xf32>
        tpu.vector_store %arg10[%swap3A_354, %swap3A_355], %swap3A_358 {add = true, strides = array<i32>} : memref<200x64xf32, #tpu.memory_space<vmem>>, vector<1x16xf32>,
        %get3A_359 = arith.index_cast %scan3A_340 : i32 to index
        %get3A_360 = arith.constant 32 : index
        %get3A_361 = tpu.vector_load %arg11[%get3A_359, %get3A_360] {strides = array<i32>} : memref<200x64xf32, #tpu.memory_space<vmem>>, vector<1x16xf32>,
        %get3A_362 = vector.shape_cast %get3A_361 : vector<1x16xf32> to vector<16xf32>
        %swap3A_363 = arith.index_cast %scan3A_340 : i32 to index
        %swap3A_364 = arith.constant 32 : index
        %swap3A_365 = tpu.vector_load %arg10[%swap3A_363, %swap3A_364] {strides = array<i32>} : memref<200x64xf32, #tpu.memory_space<vmem>>, vector<1x16xf32>,
        %swap3A_366 = vector.shape_cast %swap3A_365 : vector<1x16xf32> to vector<16xf32>
        %swap3A_367 = vector.shape_cast %get3A_362 : vector<16xf32> to vector<1x16xf32>
        tpu.vector_store %arg10[%swap3A_363, %swap3A_364], %swap3A_367 {add = true, strides = array<i32>} : memref<200x64xf32, #tpu.memory_space<vmem>>, vector<1x16xf32>,
        %get3A_368 = arith.index_cast %scan3A_340 : i32 to index
        %get3A_369 = arith.constant 48 : index
        %get3A_370 = tpu.vector_load %arg11[%get3A_368, %get3A_369] {strides = array<i32>} : memref<200x64xf32, #tpu.memory_space<vmem>>, vector<1x16xf32>,
        %get3A_371 = vector.shape_cast %get3A_370 : vector<1x16xf32> to vector<16xf32>
        %swap3A_372 = arith.index_cast %scan3A_340 : i32 to index
        %swap3A_373 = arith.constant 48 : index
        %swap3A_374 = tpu.vector_load %arg10[%swap3A_372, %swap3A_373] {strides = array<i32>} : memref<200x64xf32, #tpu.memory_space<vmem>>, vector<1x16xf32>,
        %swap3A_375 = vector.shape_cast %swap3A_374 : vector<1x16xf32> to vector<16xf32>
        %swap3A_376 = vector.shape_cast %get3A_371 : vector<16xf32> to vector<1x16xf32>
        tpu.vector_store %arg10[%swap3A_372, %swap3A_373], %swap3A_376 {add = true, strides = array<i32>} : memref<200x64xf32, #tpu.memory_space<vmem>>, vector<1x16xf32>,
        %scan3A_377 = arith.constant 3 : i32
        %scan3A_378 = arith.addi %scan3A_266, %scan3A_377 : i32
        %get3A_379 = arith.index_cast %scan3A_378 : i32 to index
        %get3A_380 = arith.constant 0 : index
        %get3A_381 = tpu.vector_load %arg11[%get3A_379, %get3A_380] {strides = array<i32>} : memref<200x64xf32, #tpu.memory_space<vmem>>, vector<1x16xf32>,
        %get3A_382 = vector.shape_cast %get3A_381 : vector<1x16xf32> to vector<16xf32>
        %swap3A_383 = arith.index_cast %scan3A_378 : i32 to index
        %swap3A_384 = arith.constant 0 : index
        %swap3A_385 = tpu.vector_load %arg10[%swap3A_383, %swap3A_384] {strides = array<i32>} : memref<200x64xf32, #tpu.memory_space<vmem>>, vector<1x16xf32>,
        %swap3A_386 = vector.shape_cast %swap3A_385 : vector<1x16xf32> to vector<16xf32>
        %swap3A_387 = vector.shape_cast %get3A_382 : vector<16xf32> to vector<1x16xf32>
        tpu.vector_store %arg10[%swap3A_383, %swap3A_384], %swap3A_387 {add = true, strides = array<i32>} : memref<200x64xf32, #tpu.memory_space<vmem>>, vector<1x16xf32>,
        %get3A_388 = arith.index_cast %scan3A_378 : i32 to index
        %get3A_389 = arith.constant 16 : index
        %get3A_390 = tpu.vector_load %arg11[%get3A_388, %get3A_389] {strides = array<i32>} : memref<200x64xf32, #tpu.memory_space<vmem>>, vector<1x16xf32>,
        %get3A_391 = vector.shape_cast %get3A_390 : vector<1x16xf32> to vector<16xf32>
        %swap3A_392 = arith.index_cast %scan3A_378 : i32 to index
        %swap3A_393 = arith.constant 16 : index
        %swap3A_394 = tpu.vector_load %arg10[%swap3A_392, %swap3A_393] {strides = array<i32>} : memref<200x64xf32, #tpu.memory_space<vmem>>, vector<1x16xf32>,
        %swap3A_395 = vector.shape_cast %swap3A_394 : vector<1x16xf32> to vector<16xf32>
        %swap3A_396 = vector.shape_cast %get3A_391 : vector<16xf32> to vector<1x16xf32>
        tpu.vector_store %arg10[%swap3A_392, %swap3A_393], %swap3A_396 {add = true, strides = array<i32>} : memref<200x64xf32, #tpu.memory_space<vmem>>, vector<1x16xf32>,
        %get3A_397 = arith.index_cast %scan3A_378 : i32 to index
        %get3A_398 = arith.constant 32 : index
        %get3A_399 = tpu.vector_load %arg11[%get3A_397, %get3A_398] {strides = array<i32>} : memref<200x64xf32, #tpu.memory_space<vmem>>, vector<1x16xf32>,
        %get3A_400 = vector.shape_cast %get3A_399 : vector<1x16xf32> to vector<16xf32>
        %swap3A_401 = arith.index_cast %scan3A_378 : i32 to index
        %swap3A_402 = arith.constant 32 : index
        %swap3A_403 = tpu.vector_load %arg10[%swap3A_401, %swap3A_402] {strides = array<i32>} : memref<200x64xf32, #tpu.memory_space<vmem>>, vector<1x16xf32>,
        %swap3A_404 = vector.shape_cast %swap3A_403 : vector<1x16xf32> to vector<16xf32>
        %swap3A_405 = vector.shape_cast %get3A_400 : vector<16xf32> to vector<1x16xf32>
        tpu.vector_store %arg10[%swap3A_401, %swap3A_402], %swap3A_405 {add = true, strides = array<i32>} : memref<200x64xf32, #tpu.memory_space<vmem>>, vector<1x16xf32>,
        %get3A_406 = arith.index_cast %scan3A_378 : i32 to index
        %get3A_407 = arith.constant 48 : index
        %get3A_408 = tpu.vector_load %arg11[%get3A_406, %get3A_407] {strides = array<i32>} : memref<200x64xf32, #tpu.memory_space<vmem>>, vector<1x16xf32>,
        %get3A_409 = vector.shape_cast %get3A_408 : vector<1x16xf32> to vector<16xf32>
        %swap3A_410 = arith.index_cast %scan3A_378 : i32 to index
        %swap3A_411 = arith.constant 48 : index
        %swap3A_412 = tpu.vector_load %arg10[%swap3A_410, %swap3A_411] {strides = array<i32>} : memref<200x64xf32, #tpu.memory_space<vmem>>, vector<1x16xf32>,
        %swap3A_413 = vector.shape_cast %swap3A_412 : vector<1x16xf32> to vector<16xf32>
        %swap3A_414 = vector.shape_cast %get3A_409 : vector<16xf32> to vector<1x16xf32>
        tpu.vector_store %arg10[%swap3A_410, %swap3A_411], %swap3A_414 {add = true, strides = array<i32>} : memref<200x64xf32, #tpu.memory_space<vmem>>, vector<1x16xf32>,
      }
      %scan3A_256 = arith.constant 200 : i32
      %add3A_257 = arith.addi %mul3A_4, %add3A_226 : i32
      %dma_start3A_258 = arith.constant 0 : i32
      %dma_start3A_259 = arith.constant 0 : i32
      %dma_start3A_260 = tpu.memref_slice %arg5[%add3A_257, %dma_start3A_258, %dma_start3A_259] : memref<4096x200x64xf32, #tpu.memory_space<hbm>> -> memref<1x200x64xf32, #tpu.memory_space<hbm>>
      %dma_start3A_261 = tpu.memref_squeeze %dma_start3A_260 : memref<1x200x64xf32, #tpu.memory_space<hbm>> -> memref<200x64xf32, #tpu.memory_space<hbm>>
      %dma_start3A_262 = arith.constant 0 : i32
      %dma_start3A_263 = arith.constant 0 : i32
      %dma_start3A_264 = tpu.memref_slice %arg5[%add3A_257, %dma_start3A_262, %dma_start3A_263] : memref<4096x200x64xf32, #tpu.memory_space<hbm>> -> memref<1x200x64xf32, #tpu.memory_space<hbm>>
      %dma_start3A_265 = tpu.memref_squeeze %dma_start3A_264 : memref<1x200x64xf32, #tpu.memory_space<hbm>> -> memref<200x64xf32, #tpu.memory_space<hbm>>
      tpu.enqueue_dma source(%arg10 : memref<200x64xf32, #tpu.memory_space<vmem>>) target(%dma_start3A_265 : memref<200x64xf32, #tpu.memory_space<hbm>>) target_semaphore(%arg19 : memref<!tpu.dma_semaphore, #tpu.memory_space<semaphore_mem>>)
    }
    %scan3A_67 = arith.constant 32 : i32
    %dma_wait3A = arith.constant 0 : i32
    %dma_wait3A_68 = arith.constant 0 : i32
    %dma_wait3A_69 = tpu.memref_slice %arg5[%mul3A_4, %dma_wait3A, %dma_wait3A_68] : memref<4096x200x64xf32, #tpu.memory_space<hbm>> -> memref<1x200x64xf32, #tpu.memory_space<hbm>>
    %dma_wait3A_70 = tpu.memref_squeeze %dma_wait3A_69 : memref<1x200x64xf32, #tpu.memory_space<hbm>> -> memref<200x64xf32, #tpu.memory_space<hbm>>
    %dma_wait3A_71 = arith.constant 0 : i32
    %dma_wait3A_72 = arith.constant 0 : i32
    %dma_wait3A_73 = tpu.memref_slice %arg5[%mul3A_4, %dma_wait3A_71, %dma_wait3A_72] : memref<4096x200x64xf32, #tpu.memory_space<hbm>> -> memref<1x200x64xf32, #tpu.memory_space<hbm>>
    %dma_wait3A_74 = tpu.memref_squeeze %dma_wait3A_73 : memref<1x200x64xf32, #tpu.memory_space<hbm>> -> memref<200x64xf32, #tpu.memory_space<hbm>>
    tpu.wait_dma2 semaphore(%arg16 : memref<!tpu.dma_semaphore, #tpu.memory_space<semaphore_mem>>) src(%arg7 : memref<200x64xf32, #tpu.memory_space<vmem>>) dst(%dma_wait3A_74 : memref<200x64xf32, #tpu.memory_space<hbm>>)
    %dma_wait3A_75 = arith.constant 0 : i32
    %dma_wait3A_76 = arith.constant 0 : i32
    %dma_wait3A_77 = tpu.memref_slice %arg5[%mul3A_4, %dma_wait3A_75, %dma_wait3A_76] : memref<4096x200x64xf32, #tpu.memory_space<hbm>> -> memref<1x200x64xf32, #tpu.memory_space<hbm>>
    %dma_wait3A_78 = tpu.memref_squeeze %dma_wait3A_77 : memref<1x200x64xf32, #tpu.memory_space<hbm>> -> memref<200x64xf32, #tpu.memory_space<hbm>>
    %dma_wait3A_79 = arith.constant 0 : i32
    %dma_wait3A_80 = arith.constant 0 : i32
    %dma_wait3A_81 = tpu.memref_slice %arg5[%mul3A_4, %dma_wait3A_79, %dma_wait3A_80] : memref<4096x200x64xf32, #tpu.memory_space<hbm>> -> memref<1x200x64xf32, #tpu.memory_space<hbm>>
    %dma_wait3A_82 = tpu.memref_squeeze %dma_wait3A_81 : memref<1x200x64xf32, #tpu.memory_space<hbm>> -> memref<200x64xf32, #tpu.memory_space<hbm>>
    tpu.wait_dma2 semaphore(%arg17 : memref<!tpu.dma_semaphore, #tpu.memory_space<semaphore_mem>>) src(%arg8 : memref<200x64xf32, #tpu.memory_space<vmem>>) dst(%dma_wait3A_82 : memref<200x64xf32, #tpu.memory_space<hbm>>)
    %dma_wait3A_83 = arith.constant 0 : i32
    %dma_wait3A_84 = arith.constant 0 : i32
    %dma_wait3A_85 = tpu.memref_slice %arg5[%mul3A_4, %dma_wait3A_83, %dma_wait3A_84] : memref<4096x200x64xf32, #tpu.memory_space<hbm>> -> memref<1x200x64xf32, #tpu.memory_space<hbm>>
    %dma_wait3A_86 = tpu.memref_squeeze %dma_wait3A_85 : memref<1x200x64xf32, #tpu.memory_space<hbm>> -> memref<200x64xf32, #tpu.memory_space<hbm>>
    %dma_wait3A_87 = arith.constant 0 : i32
    %dma_wait3A_88 = arith.constant 0 : i32
    %dma_wait3A_89 = tpu.memref_slice %arg5[%mul3A_4, %dma_wait3A_87, %dma_wait3A_88] : memref<4096x200x64xf32, #tpu.memory_space<hbm>> -> memref<1x200x64xf32, #tpu.memory_space<hbm>>
    %dma_wait3A_90 = tpu.memref_squeeze %dma_wait3A_89 : memref<1x200x64xf32, #tpu.memory_space<hbm>> -> memref<200x64xf32, #tpu.memory_space<hbm>>
    tpu.wait_dma2 semaphore(%arg18 : memref<!tpu.dma_semaphore, #tpu.memory_space<semaphore_mem>>) src(%arg9 : memref<200x64xf32, #tpu.memory_space<vmem>>) dst(%dma_wait3A_90 : memref<200x64xf32, #tpu.memory_space<hbm>>)
    %dma_wait3A_91 = arith.constant 0 : i32
    %dma_wait3A_92 = arith.constant 0 : i32
    %dma_wait3A_93 = tpu.memref_slice %arg5[%mul3A_4, %dma_wait3A_91, %dma_wait3A_92] : memref<4096x200x64xf32, #tpu.memory_space<hbm>> -> memref<1x200x64xf32, #tpu.memory_space<hbm>>
    %dma_wait3A_94 = tpu.memref_squeeze %dma_wait3A_93 : memref<1x200x64xf32, #tpu.memory_space<hbm>> -> memref<200x64xf32, #tpu.memory_space<hbm>>
    %dma_wait3A_95 = arith.constant 0 : i32
    %dma_wait3A_96 = arith.constant 0 : i32
    %dma_wait3A_97 = tpu.memref_slice %arg5[%mul3A_4, %dma_wait3A_95, %dma_wait3A_96] : memref<4096x200x64xf32, #tpu.memory_space<hbm>> -> memref<1x200x64xf32, #tpu.memory_space<hbm>>
    %dma_wait3A_98 = tpu.memref_squeeze %dma_wait3A_97 : memref<1x200x64xf32, #tpu.memory_space<hbm>> -> memref<200x64xf32, #tpu.memory_space<hbm>>
    tpu.wait_dma2 semaphore(%arg19 : memref<!tpu.dma_semaphore, #tpu.memory_space<semaphore_mem>>) src(%arg10 : memref<200x64xf32, #tpu.memory_space<vmem>>) dst(%dma_wait3A_98 : memref<200x64xf32, #tpu.memory_space<hbm>>)
    return
  }
}

</mosaic_0001>

<sc_bundles>
// kernel: kernel.3.cloned.1.call-start
scs
__scs_entry_jumppad:
0x0: {  	(pc) =	sbr.rel $0x88, $3  }
0x1: {  	(tag) =	ssettag $0x0;
	lr =	simm.s32 $0x1  }
0x2: {  	[smem:$0x3F9F] =	sst lr;
	_ =	strace $0xD0000000  }
0x3: {  	_ = 	snop  }
0x4: {  	_ = 	snop  }
0x5: {  	_ = 	snop  }
0x6: {  	_ = 	snop  }
0x7: {  	_ = 	snop  }
__scs_overlays_trampoline_lowered:
0x8: {  	[smem:$0x3FAE] =	sst s0  }
0x9: {  	[smem:$0x3FAF] =	sst s1  }
0xa: {  	[smem:$0x3FB0] =	sst s2  }
0xb: {  	[smem:$0x3FB1] =	sst s3  }
0xc: {  	[smem:$0x3FB2] =	sst s4  }
0xd: {  	[smem:$0x3FB3] =	sst s5  }
0xe: {  	[smem:$0x3FB4] =	sst s6  }
0xf: {  	[smem:$0x3FB5] =	sst s7  }
0x10: {  	[smem:$0x3FB6] =	sst s8  }
0x11: {  	[smem:$0x3FB7] =	sst s9;
	s0 =	simm.s32 @!p0 $0x0  }
0x12: {  	s1 =	sld [smem:$0x3F9D];
	s0 =	simm.s32 @p0 $0x1  }
0x13: {  	[smem:$0x3FB8] =	sst s0;
	s0 =	simm.s32 @!p1 $0x0  }
0x14: {  	s2 =	sld [smem:$0x3F9C];
	s0 =	simm.s32 @p1 $0x1  }
0x15: {  	[smem:$0x3FB9] =	sst s0;
	s0 =	simm.s32 @!p2 $0x0  }
0x16: {  	s3 =	sld [smem:$0x3FDB];
	s0 =	simm.s32 @p2 $0x1  }
0x17: {  	s4 =	simm.s32 $0x1BF5;
	[smem:$0x3FBB] =	sst s0  }
0x18: {  	s0 =	sld [smem:$0x3F9E];
	_ =	swait.ge [sflag:s4], $0x0  }
0x19: {  	s7 =	sld [smem:$0x3F9F]  }
0x1a: {  	s8 =	sadd.s32 $0xFFFFE003, lr  }
0x1b: {  	s9 =	sadd.s32 $0xFFFFFEF7, lr;
	s5 =	simm.s32 $0xFFFFFFFF;
	p2 =	slt.u32 s8, $0xFFFFF086  }
0x1c: {  	p1 =	slt.u32 s9, $0xF7A;
	s5 =	simm.s32 @!p2 $0x0  }
0x1d: {  	s5 =	simm.s32 @p1 $0x1;
	p0 =	seq.s32 s7, s2  }
0x1e: {  	s7 =	smul.u32 @!p0 $0xF7A, s2;
	p2 =	seq.s32 @!p0 s5, $0x0  }
0x1f: {  	s9 =	smul.u32 $0xF7A, s1;
	s8 =	simm.s32 @!p0 $0x1BF5;
	p2 =	por !p2, p0  }
0x20: {  	[sflag:s8] =	ssyncset.s32 @!p0 $0xFFFFF086;
	s6 =	sadd.s32 @!p0 s3, s7;
	s7 =	simm.s32 @!p0 $0x108  }
0x21: {  	s3 =	sadd.s32 s3, s9;
	s6 =	sadd.s32 @!p0 $0x88, s6;
	s7 =	simm.s32 @p2 $0x1082  }
0x22: {  	[simem:s7], [sflag:s8] =	dma.local @!p0 [hbm:s6], $0xF7A  }
0x23: {  	s9 =	sor.u32 $0xD0000000, s2;
	s6 =	simm.s32 $0x108;
	_ =	swait.ge @!p0 [sflag:s8], $0x0  }
0x24: {  	s3 =	sadd.s32 $0x88, s3;
	s6 =	simm.s32 @!p1 $0x1082;
	[sflag:s4] =	ssyncset.s32 $0xFFFFF086  }
0x25: {  	[simem:s6], [sflag:s4] =	dma.local [hbm:s3], $0xF7A  }
0x26: {  	[smem:$0x3F9F] =	sst s1;
	(tag) =	ssettag s2;
	_ =	strace s9  }
0x27: {  	s1 =	sld [smem:$0x3FAF]  }
0x28: {  	s2 =	sld [smem:$0x3FB0]  }
0x29: {  	s4 =	sld [smem:$0x3FB2]  }
0x2a: {  	p0 =	seq.s32 s5, $0x0;
	s5 =	sld [smem:$0x3FB3]  }
0x2b: {  	s6 =	sld [smem:$0x3FB4]  }
0x2c: {  	s7 =	sld [smem:$0x3FB5]  }
0x2d: {  	s3 =	simm.s32 $0x108;
	s8 =	sld [smem:$0x3FB6]  }
0x2e: {  	s3 =	simm.s32 @!p0 $0x1082;
	s9 =	sld [smem:$0x3FB7]  }
0x2f: {  	lr =	sadd.s32 s0, s3;
	s0 =	sld [smem:$0x3FAE]  }
0x30: {  	s3 =	sld [smem:$0x3FB1]  }
0x31: {  	[smem:$0x3FBA] =	sst s10  }
0x32: {  	s10 =	sld [smem:$0x3FB8];
	_ =	sdelay $0x3  }
0x33: {  	p0 =	seq.s32 s10, $0x1;
	s10 =	sld [smem:$0x3FBA];
	_ =	sdelay $0x3  }
0x34: {  	[smem:$0x3FBA] =	sst s10  }
0x35: {  	s10 =	sld [smem:$0x3FB9];
	_ =	sdelay $0x3  }
0x36: {  	p1 =	seq.s32 s10, $0x1;
	s10 =	sld [smem:$0x3FBA];
	_ =	sdelay $0x3  }
0x37: {  	[smem:$0x3FBA] =	sst s10  }
0x38: {  	s10 =	sld [smem:$0x3FBB]  }
0x39: {  	_ = 	snop;
	(pc) =	sbr.ind lr, $3  }
0x3a: {  	_ = 	snop  }
0x3b: {  	_ = 	snop  }
0x3c: {  	p2 =	seq.s32 s10, $0x1;
	s10 =	sld [smem:$0x3FBA]  }
0x3d: {  	_ =	shalt  }
0x3e: {  	_ =	shalt  }
0x3f: {  	_ =	shalt  }
0x40: {  	_ =	shalt  }
0x41: {  	_ =	shalt  }
0x42: {  	_ =	shalt  }
0x43: {  	_ =	shalt  }
0x44: {  	_ =	shalt  }
0x45: {  	_ =	shalt  }
0x46: {  	_ =	shalt  }
0x47: {  	_ =	shalt  }
0x48: {  	_ =	shalt  }
0x49: {  	_ =	shalt  }
0x4a: {  	_ =	shalt  }
0x4b: {  	_ =	shalt  }
0x4c: {  	_ =	shalt  }
0x4d: {  	_ =	shalt  }
0x4e: {  	_ =	shalt  }
0x4f: {  	_ =	shalt  }
0x50: {  	_ =	shalt  }
0x51: {  	_ =	shalt  }
0x52: {  	_ =	shalt  }
0x53: {  	_ =	shalt  }
0x54: {  	_ =	shalt  }
0x55: {  	_ =	shalt  }
0x56: {  	_ =	shalt  }
0x57: {  	_ =	shalt  }
0x58: {  	_ =	shalt  }
0x59: {  	_ =	shalt  }
0x5a: {  	_ =	shalt  }
0x5b: {  	_ =	shalt  }
0x5c: {  	_ =	shalt  }
0x5d: {  	_ =	shalt  }
0x5e: {  	_ =	shalt  }
0x5f: {  	_ =	shalt  }
0x60: {  	_ =	shalt  }
0x61: {  	_ =	shalt  }
0x62: {  	_ =	shalt  }
0x63: {  	_ =	shalt  }
0x64: {  	_ =	shalt  }
0x65: {  	_ =	shalt  }
0x66: {  	_ =	shalt  }
0x67: {  	_ =	shalt  }
0x68: {  	_ =	shalt  }
0x69: {  	_ =	shalt  }
0x6a: {  	_ =	shalt  }
0x6b: {  	_ =	shalt  }
0x6c: {  	_ =	shalt  }
0x6d: {  	_ =	shalt  }
0x6e: {  	_ =	shalt  }
0x6f: {  	_ =	shalt  }
0x70: {  	_ =	shalt  }
0x71: {  	_ =	shalt  }
0x72: {  	_ =	shalt  }
0x73: {  	_ =	shalt  }
0x74: {  	_ =	shalt  }
0x75: {  	_ =	shalt  }
0x76: {  	_ =	shalt  }
0x77: {  	_ =	shalt  }
0x78: {  	_ =	shalt  }
0x79: {  	_ =	shalt  }
0x7a: {  	_ =	shalt  }
0x7b: {  	_ =	shalt  }
0x7c: {  	_ =	shalt  }
0x7d: {  	_ =	shalt  }
0x7e: {  	_ =	shalt  }
0x7f: {  	_ =	shalt  }
0x80: {  	_ =	shalt  }
0x81: {  	_ =	shalt  }
0x82: {  	_ =	shalt  }
0x83: {  	_ =	shalt  }
0x84: {  	_ =	shalt  }
0x85: {  	_ =	shalt  }
0x86: {  	_ =	shalt  }
0x87: {  	_ =	shalt  }
.Lfunc_end0:
.L_simem_size_0:
called_computation.1_lowered:
.L_overlay_start_0:
0x88: {  	s2 =	sld [smem:$0x3FD9]  }
0x89: {  	s3 =	sld [smem:$0x3FFE];
	_ =	sdelay $0x1  }
0x8a: {  	s1 =	srdreg.scid  }
0x8b: {  	s0 =	sand.u32 $0x1, s1  }
0x8c: {  	s17 =	sshll.u32 s0, $0xA;
	s2 =	sadd.s32 s3, s2  }
0x8d: {  	s2 =	sadd.s32 s2, s17  }
0x8e: {  	[smem:$0x3FC6] =	sst s2  }
0x8f: {  	_ = 	snop  }
0x90: {  	s2 =	sld [smem:$0x3FD0];
	(tm) =	ssettm $0x1  }
0x91: {  	s18 =	sld [smem:$0x3FFB];
	_ =	sdelay $0x3  }
0x92: {  	_ =	strace s18  }
0x93: {  	s3 =	sld [smem:$0x3FFC];
	_ =	sdelay $0x3  }
0x94: {  	_ =	strace s3  }
0x95: {  	s3 =	sld [smem:$0x3FFD];
	_ =	sdelay $0x3  }
0x96: {  	_ =	strace s3  }
0x97: {  	_ =	strace $0x8FFFFFFF  }
0x98: {  	s19 =	sld [smem:$0x3FDB];
	_ =	sdelay $0x1  }
0x99: {  	s4 =	simm.s32 $_scs_section_size  }
0x9a: {  	s5 =	simm.s32 $_size__tile_overlayer_lowered;
	s6 =	simm.s32 $_tile_overlayer_lowered  }
0x9b: {  	s22 =	simm.s32 $0x1BFF;
	s21 =	sshll.u32 s6, $0x1;
	s3 =	sadd.s32 s4, s19  }
0x9c: {  	s7 =	simm.s32 $0x0;
	s20 =	sshll.u32 s5, $0x1;
	s5 =	sadd.s32 s21, s3  }
0x9d: {  	[timem:s7], [sflag:s22] =	dma.local [hbm:s5], s20  }
0x9e: {  	_ =	swait.ge [sflag:s22], s20  }
0x9f: {  	s4 =	ssub.s32 $0x0, s20;
	[sflag:s22] =	ssyncset.done $0x0  }
0xa0: {  	[sflag:s22] =	ssyncadd.s32 s4;
	_ =	sdelay $0x1  }
0xa1: {  	s23 =	simm.s32 $0x1B8B  }
0xa2: {  	_ =	swait.ge [sflag:s23], $0x1  }
0xa3: {  	[sflag:s23] =	ssyncset.done $0x0  }
0xa4: {  	s25 =	simm.s32 $0x1B8E;
	s24 =	sld [smem:$0x3FFE];
	[sflag:s23] =	ssyncadd.s32 $0xFFFFFFFF  }
0xa5: {  	s26 =	simm.s32 $execute0_lowered;
	[smem:$0x3FD2] =	sst s25  }
0xa6: {  	s5 =	sshll.u32 s26, $0x1;
	_ =	strace $0x80000046;
	[dreg:$0x1] =	wrdreg $0xFFFFFFFF  }
0xa7: {  	s28 =	simm.s32 $_size_execute0_lowered;
	s3 =	sadd.s32 s3, s5;
	[dreg:$0x0] =	wrdreg $0x0  }
0xa8: {  	s5 =	sshll.u32 s28, $0x1;
	[dreg:$0x2] =	wrdreg s3  }
0xa9: {  	[dreg:$0x3] =	wrdreg s5  }
0xaa: {  	[dreg:$0x4] =	wrdreg $0xC0  }
0xab: {  	_ =	task [dreg:s7], $0x5FFFF  }
0xac: {  	[dreg:$0x1] =	wrdreg $0xFFFFFFFF  }
0xad: {  	[dreg:$0x0] =	wrdreg $0x60  }
0xae: {  	[dreg:$0x2] =	wrdreg s24  }
0xaf: {  	[dreg:$0x3] =	wrdreg s2  }
0xb0: {  	[dreg:$0x4] =	wrdreg $0x9  }
0xb1: {  	_ =	task.clear_ibuf [dreg:s7], $0x5FFFF;
	_ =	strace $0x90000046  }
0xb2: {  	s29 =	simm.s32 $0x9;
	_ =	strace $0x80000048  }
0xb3: {  	_ =	swait.ge [sflag:s29], $0x1  }
0xb4: {  	[sflag:s29] =	ssyncadd.s32 $0xFFFFFFFF  }
0xb5: {  	_ =	strace $0x90000048  }
0xb6: {  	_ =	sfence  }
0xb7: {  	s30 =	sld [smem:$0x0];
	_ =	sdelay $0x2  }
0xb8: {  	s31 =	sshll.u32 s1, $0xD;
	s1 =	sshrl.u32 s1, $0x2  }
0xb9: {  	s3 =	sand.u32 $0x4000, s31;
	s1 =	sadd.s32 s1, s30  }
0xba: {  	s0 =	sor.u32 s3, s0;
	s1 =	sshll.u32 s1, $0x11  }
0xbb: {  	s0 =	sor.u32 s1, s0  }
0xbc: {  	s0 =	sadd.s32 $0x8F2B, s0  }
0xbd: {  	[sflag:s0] =	ssyncadd.remote.s32 $0x1  }
0xbe: {  	_ =	sfence.sel $0xFFFF  }
0xbf: {  	[dreg:$0x0] =	wrdreg $0xFFFFFFFF;
	(pc) =	sbr.abs _section_cstart, $3  }
0xc0: {  	[dreg:$0x1] =	wrdreg $0xFFFFFFFF  }
0xc1: {  	_ =	task.clear_ibuf [dreg:s7], $0x2FFFF;
	_ =	strace $0x9FFFFFFF  }
0xc2: {  	(tm) =	ssettm $0x7FFFFFFF  }
0xc3: {  	_ =	shalt  }
tec
execute0_lowered:
.L_overlay_start_1:
0x0: {  	(tag) =	ssettag $0x1  }
0x1: {  	s0 =	rddreg [dreg:$0x0]  }
0x2: {  	s1 =	srdreg.scid;
	s3 =	stileid.u32  }
0x3: {  	s2 =	rddreg [dreg:$0x1];
	s10 =	simm.s32 $0x9;
	s11 =	simm.s32 $0x64  }
0x4: {  	s12 =	simm.s32 $0x6800;
	s16 =	simm.s32 $0x9A00;
	s20 =	simm.s32 $0xCC00  }
0x5: {  	s23 =	simm.s32 $0xFE00;
	s24 =	simm.s32 $0x11700;
	s25 =	simm.s32 $0x1  }
0x6: {  	s28 =	simm.s32 $0x3;
	s29 =	simm.s32 $0x4;
	s30 =	simm.s32 $0x5  }
0x7: {  	s31 =	simm.s32 $0x6;
	s9 =	simm.s32 $0x0;
	s1 =	sand.u32 $0x1, s1  }
0x8: {  	s4 =	sshll.u32 s3, $0x1;
	s3 =	simm.s32 $0x0;
	s5 =	sadd.s32 $0x400, s0  }
0x9: {  	s6 =	sor.u32 s1, s4;
	[smem:$0x7FF] =	sst s3;
	s1 =	ssub.s32 $0x2, s1  }
0xa: {  	s4 =	smul.u32 $0xD00, s6;
	_ =	strace $0x80000047;
	s8 =	sshrl.u32 s1, $0x1  }
0xb: {  	s6 =	sshll.u32 s6, $0x7;
	s26 =	ssub.s32 s1, s8;
	s1 =	simm.s32 $0x7  }
0xc: {  	s7 =	sadd.s32 s4, s0;
	s4 =	sadd.s32 $0x1AC00, s0;
	s8 =	smax.u32 s26, $0x1  }
0xd: {  	s26 =	simm.s32 $0x2;
	s0 =	simm.s32 $0x8;
	s7 =	sadd.s32 $0xC00, s7  }
.LBB2_1:
0xe: {  	s13 =	simm.s32 $0x13000  }
0xf: {  	[tilespmem:s13], [sflag:$0x9] =	stream.linear.gather [hbm4b:s5+s3], $0x3200, $0x38;
	[tilespmem:$0x16200] =	vst v63  }
0x10: {  	_ =	swait.ge [sflag:s10], $0x3200  }
0x11: {  	[sflag:s10] =	ssyncset.done $0x0  }
0x12: {  	[sflag:s10] =	ssyncadd.s32 $0xFFFFCE00  }
0x13: {  	[tilespmem:s3], [sflag:$0x9] =	stream.linear.gather [hbm4b:s7+s3], $0x6800, $0x38;
	[tilespmem:$0x16200] =	vst v63  }
0x14: {  	_ =	swait.ge [sflag:s10], $0x6800  }
0x15: {  	[sflag:s10] =	ssyncset.done $0x0  }
0x16: {  	[sflag:s10] =	ssyncadd.s32 $0xFFFF9800  }
0x17: {  	[tilespmem:s12], [sflag:$0x1] =	stream.indirect.gather [hbm4b:s4+s11], $0x40, s3, s11, $0xb8;
	[tilespmem:$0x16200] =	vst v63  }
0x18: {  	s22 =	simm.s32 $0x68;
	s14 =	simm.s32 $0x8100  }
0x19: {  	[tilespmem:s14], [sflag:$0x1] =	stream.indirect.gather [hbm4b:s4+s11], $0x40, s22, s11, $0xb8;
	[tilespmem:$0x16200] =	vst v63  }
0x1a: {  	s15 =	simm.s32 $0xD0  }
0x1b: {  	[tilespmem:s16], [sflag:$0x2] =	stream.indirect.gather [hbm4b:s4+s11], $0x40, s15, s11, $0xb8;
	[tilespmem:$0x16200] =	vst v63  }
0x1c: {  	s17 =	simm.s32 $0x138;
	s18 =	simm.s32 $0xB300  }
0x1d: {  	[tilespmem:s18], [sflag:$0x2] =	stream.indirect.gather [hbm4b:s4+s11], $0x40, s17, s11, $0xb8;
	[tilespmem:$0x16200] =	vst v63  }
0x1e: {  	s19 =	simm.s32 $0x1A0  }
0x1f: {  	[tilespmem:s20], [sflag:$0x3] =	stream.indirect.gather [hbm4b:s4+s11], $0x40, s19, s11, $0xb8;
	[tilespmem:$0x16200] =	vst v63  }
0x20: {  	s21 =	simm.s32 $0x208;
	s13 =	simm.s32 $0x0;
	s22 =	simm.s32 $0xE500  }
0x21: {  	[tilespmem:s22], [sflag:$0x3] =	stream.indirect.gather [hbm4b:s4+s11], $0x40, s21, s11, $0xb8;
	[tilespmem:$0x16200] =	vst v63  }
.LBB2_2:
0x22: {  	p0 =	seq.s32 s13, $0x0  }
0x23: {  	s14 =	sshllo.u32 s13, $0x2;
	s15 =	simm.s32 @!p0 $0x8  }
0x24: {  	s17 =	smul.u32 $0x340, s14;
	_ =	swait.ge @!p0 [sflag:s15], $0x3200  }
0x25: {  	[sflag:s15] =	ssyncset.done @!p0 $0x0  }
0x26: {  	s22 =	sshra.s32 s17, $0x2;
	[sflag:s15] =	ssyncadd.s32 @!p0 $0xFFFFCE00  }
0x27: {  	[tilespmem:s23], [sflag:$0x4] =	stream.indirect.gather [hbm4b:s4+s11], $0x40, s22, s11, $0xb8;
	[tilespmem:$0x16200] =	vst v63  }
0x28: {  	s15 =	sadd.s32 $0x68, s22  }
0x29: {  	[tilespmem:s24], [sflag:$0x4] =	stream.indirect.gather [hbm4b:s4+s11], $0x40, s15, s11, $0xb8;
	[tilespmem:$0x16200] =	vst v63  }
0x2a: {  	_ =	swait.ge [sflag:s25], $0x3200  }
0x2b: {  	[sflag:s25] =	ssyncset.done $0x0  }
0x2c: {  	s15 =	simm.s32 $0x0;
	[sflag:s25] =	ssyncadd.s32 $0xFFFFCE00  }
0x2d: {  	v0 =	vld [tilespmem:s15+$0x130F0]  }
0x2e: {  	v1 =	vld [tilespmem:s15+$0x13000]  }
0x2f: {  	v2 =	vld [tilespmem:s15+$0x13010]  }
0x30: {  	v3 =	vld [tilespmem:s15+$0x13020]  }
0x31: {  	v4 =	vld [tilespmem:s15+$0x13030]  }
0x32: {  	v5 =	vld [tilespmem:s15+$0x13040]  }
0x33: {  	v6 =	vld [tilespmem:s15+$0x13050]  }
0x34: {  	v7 =	vld [tilespmem:s15+$0x13060]  }
0x35: {  	v8 =	vld [tilespmem:s15+$0x13070]  }
0x36: {  	v9 =	vld [tilespmem:s15+$0x13080]  }
0x37: {  	v10 =	vld [tilespmem:s15+$0x13090]  }
0x38: {  	v11 =	vld [tilespmem:s15+$0x130A0]  }
0x39: {  	v12 =	vld [tilespmem:s15+$0x130B0]  }
0x3a: {  	v13 =	vld [tilespmem:s15+$0x130C0]  }
0x3b: {  	v14 =	vld [tilespmem:s15+$0x130D0]  }
0x3c: {  	[tilespmem:s15+$0x68F0] =	vst.add.f32.msk $0xffff, v0  }
0x3d: {  	v0 =	vld [tilespmem:s15+$0x130E0]  }
0x3e: {  	[tilespmem:s15+$0x6800] =	vst.add.f32.msk $0xffff, v1  }
0x3f: {  	[tilespmem:s15+$0x6810] =	vst.add.f32.msk $0xffff, v2  }
0x40: {  	[tilespmem:s15+$0x6820] =	vst.add.f32.msk $0xffff, v3  }
0x41: {  	[tilespmem:s15+$0x6830] =	vst.add.f32.msk $0xffff, v4  }
0x42: {  	[tilespmem:s15+$0x6840] =	vst.add.f32.msk $0xffff, v5  }
0x43: {  	[tilespmem:s15+$0x6850] =	vst.add.f32.msk $0xffff, v6  }
0x44: {  	[tilespmem:s15+$0x6860] =	vst.add.f32.msk $0xffff, v7  }
0x45: {  	[tilespmem:s15+$0x6870] =	vst.add.f32.msk $0xffff, v8  }
0x46: {  	[tilespmem:s15+$0x6880] =	vst.add.f32.msk $0xffff, v9  }
0x47: {  	[tilespmem:s15+$0x6890] =	vst.add.f32.msk $0xffff, v10  }
0x48: {  	[tilespmem:s15+$0x68A0] =	vst.add.f32.msk $0xffff, v11  }
0x49: {  	[tilespmem:s15+$0x68B0] =	vst.add.f32.msk $0xffff, v12  }
0x4a: {  	[tilespmem:s15+$0x68C0] =	vst.add.f32.msk $0xffff, v13  }
0x4b: {  	s18 =	simm.s32 $0x0;
	s19 =	simm.s32 $0x400;
	s17 =	sshll.u32 s13, $0x2;
	[tilespmem:s15+$0x68D0] =	vst.add.f32.msk $0xffff, v14  }
.LBB2_3:
0x4c: {  	s18 =	sadd.s32 $0x4, s18;
	[tilespmem:s15+$0x68E0] =	vst.add.f32.msk $0xffff, v0;
	s15 =	sshra.s32 s19, $0x2  }
0x4d: {  	v0 =	vld [tilespmem:s15+$0x130F0];
	p0 =	slt.u32 s18, $0xC4  }
0x4e: {  	v1 =	vld [tilespmem:s15+$0x13000]  }
0x4f: {  	v2 =	vld [tilespmem:s15+$0x13010]  }
0x50: {  	v3 =	vld [tilespmem:s15+$0x13020]  }
0x51: {  	v4 =	vld [tilespmem:s15+$0x13030]  }
0x52: {  	[tilespmem:s15+$0x68F0] =	vst.add.f32.msk $0xffff, v0  }
0x53: {  	v5 =	vld [tilespmem:s15+$0x13040]  }
0x54: {  	v6 =	vld [tilespmem:s15+$0x13050]  }
0x55: {  	v7 =	vld [tilespmem:s15+$0x13060]  }
0x56: {  	v8 =	vld [tilespmem:s15+$0x13070]  }
0x57: {  	v9 =	vld [tilespmem:s15+$0x13080]  }
0x58: {  	v10 =	vld [tilespmem:s15+$0x13090]  }
0x59: {  	v11 =	vld [tilespmem:s15+$0x130A0]  }
0x5a: {  	v12 =	vld [tilespmem:s15+$0x130B0]  }
0x5b: {  	v13 =	vld [tilespmem:s15+$0x130C0]  }
0x5c: {  	v14 =	vld [tilespmem:s15+$0x130D0]  }
0x5d: {  	v0 =	vld [tilespmem:s15+$0x130E0]  }
0x5e: {  	[tilespmem:s15+$0x6800] =	vst.add.f32.msk $0xffff, v1  }
0x5f: {  	[tilespmem:s15+$0x6810] =	vst.add.f32.msk $0xffff, v2  }
0x60: {  	[tilespmem:s15+$0x6820] =	vst.add.f32.msk $0xffff, v3  }
0x61: {  	[tilespmem:s15+$0x6830] =	vst.add.f32.msk $0xffff, v4  }
0x62: {  	[tilespmem:s15+$0x6840] =	vst.add.f32.msk $0xffff, v5  }
0x63: {  	[tilespmem:s15+$0x6850] =	vst.add.f32.msk $0xffff, v6  }
0x64: {  	[tilespmem:s15+$0x6860] =	vst.add.f32.msk $0xffff, v7  }
0x65: {  	[tilespmem:s15+$0x6870] =	vst.add.f32.msk $0xffff, v8  }
0x66: {  	[tilespmem:s15+$0x6880] =	vst.add.f32.msk $0xffff, v9  }
.Ltmp0:
0x67: {  	[tilespmem:s15+$0x6890] =	vst.add.f32.msk $0xffff, v10;
	(pc) =	sbr.rel @p0 .LBB2_3-.Ltmp0, $4  }
0x68: {  	[tilespmem:s15+$0x68A0] =	vst.add.f32.msk $0xffff, v11  }
0x69: {  	[tilespmem:s15+$0x68B0] =	vst.add.f32.msk $0xffff, v12  }
0x6a: {  	[tilespmem:s15+$0x68C0] =	vst.add.f32.msk $0xffff, v13  }
0x6b: {  	s19 =	sadd.s32 $0x400, s19;
	[tilespmem:s15+$0x68D0] =	vst.add.f32.msk $0xffff, v14  }
0x6c: {  	s18 =	sadd.s32 s6, s17  }
0x6d: {  	s18 =	smul.u32 $0x640, s18  }
0x6e: {  	p0 =	seq.s32 s13, $0x1F  }
0x6f: {  	[tilespmem:s15+$0x68E0] =	vst.add.f32.msk $0xffff, v0;
	s15 =	simm.s32 @!p0 $0x5;
	s22 =	sadd.s32 s2, s18  }
0x70: {  	[hbm4b:s22+s3] =	stream.linear.scatter [tilespmem:s12], [sflag:$0x5], $0x3200, $0x38;
	[tilespmem:$0x16200] =	vst v63  }
0x71: {  	s18 =	smul.u32 @!p0 $0xD00, s13;
	_ =	swait.ge @!p0 [sflag:s15], $0x3200  }
0x72: {  	[sflag:s15] =	ssyncset.done @!p0 $0x0  }
0x73: {  	[sflag:s15] =	ssyncadd.s32 @!p0 $0xFFFFCE00;
	s15 =	sshra.s32 @!p0 s18, $0x2  }
0x74: {  	s19 =	simm.s32 @!p0 $0x64;
	s21 =	simm.s32 @!p0 $0x6800;
	s18 =	sadd.s32 @!p0 $0x340, s15  }
0x75: {  	[tilespmem:s21], [sflag:$0x1] =	stream.indirect.gather @!p0 [hbm4b:s4+s19], $0x40, s18, s19, $0xb8;
	[tilespmem:$0x16200] =	vst v63  }
0x76: {  	s18 =	sadd.s32 @!p0 $0x3A8, s15;
	s21 =	simm.s32 @!p0 $0x8100  }
0x77: {  	[tilespmem:s21], [sflag:$0x1] =	stream.indirect.gather @!p0 [hbm4b:s4+s19], $0x40, s18, s19, $0xb8;
	[tilespmem:$0x16200] =	vst v63  }
0x78: {  	_ =	swait.ge [sflag:s26], $0x3200  }
0x79: {  	[sflag:s26] =	ssyncset.done $0x0  }
0x7a: {  	s18 =	simm.s32 $0x0;
	[sflag:s26] =	ssyncadd.s32 $0xFFFFCE00  }
0x7b: {  	v0 =	vld [tilespmem:s18+$0x130F0]  }
0x7c: {  	v1 =	vld [tilespmem:s18+$0x13000]  }
0x7d: {  	v2 =	vld [tilespmem:s18+$0x13010]  }
0x7e: {  	v3 =	vld [tilespmem:s18+$0x13020]  }
0x7f: {  	v4 =	vld [tilespmem:s18+$0x13030]  }
0x80: {  	v5 =	vld [tilespmem:s18+$0x13040]  }
0x81: {  	v6 =	vld [tilespmem:s18+$0x13050]  }
0x82: {  	v7 =	vld [tilespmem:s18+$0x13060]  }
0x83: {  	v8 =	vld [tilespmem:s18+$0x13070]  }
0x84: {  	v9 =	vld [tilespmem:s18+$0x13080]  }
0x85: {  	v10 =	vld [tilespmem:s18+$0x13090]  }
0x86: {  	v11 =	vld [tilespmem:s18+$0x130A0]  }
0x87: {  	v12 =	vld [tilespmem:s18+$0x130B0]  }
0x88: {  	v13 =	vld [tilespmem:s18+$0x130C0]  }
0x89: {  	v14 =	vld [tilespmem:s18+$0x130D0]  }
0x8a: {  	[tilespmem:s18+$0x9AF0] =	vst.add.f32.msk $0xffff, v0  }
0x8b: {  	v0 =	vld [tilespmem:s18+$0x130E0]  }
0x8c: {  	[tilespmem:s18+$0x9A00] =	vst.add.f32.msk $0xffff, v1  }
0x8d: {  	[tilespmem:s18+$0x9A10] =	vst.add.f32.msk $0xffff, v2  }
0x8e: {  	[tilespmem:s18+$0x9A20] =	vst.add.f32.msk $0xffff, v3  }
0x8f: {  	[tilespmem:s18+$0x9A30] =	vst.add.f32.msk $0xffff, v4  }
0x90: {  	[tilespmem:s18+$0x9A40] =	vst.add.f32.msk $0xffff, v5  }
0x91: {  	[tilespmem:s18+$0x9A50] =	vst.add.f32.msk $0xffff, v6  }
0x92: {  	[tilespmem:s18+$0x9A60] =	vst.add.f32.msk $0xffff, v7  }
0x93: {  	[tilespmem:s18+$0x9A70] =	vst.add.f32.msk $0xffff, v8  }
0x94: {  	[tilespmem:s18+$0x9A80] =	vst.add.f32.msk $0xffff, v9  }
0x95: {  	[tilespmem:s18+$0x9A90] =	vst.add.f32.msk $0xffff, v10  }
0x96: {  	[tilespmem:s18+$0x9AA0] =	vst.add.f32.msk $0xffff, v11  }
0x97: {  	[tilespmem:s18+$0x9AB0] =	vst.add.f32.msk $0xffff, v12  }
0x98: {  	[tilespmem:s18+$0x9AC0] =	vst.add.f32.msk $0xffff, v13  }
0x99: {  	s22 =	simm.s32 $0x400;
	s19 =	sor.u32 $0x1, s17;
	s21 =	simm.s32 $0x0;
	[tilespmem:s18+$0x9AD0] =	vst.add.f32.msk $0xffff, v14  }
.LBB2_5:
0x9a: {  	s21 =	sadd.s32 $0x4, s21;
	[tilespmem:s18+$0x9AE0] =	vst.add.f32.msk $0xffff, v0;
	s18 =	sshra.s32 s22, $0x2  }
0x9b: {  	v0 =	vld [tilespmem:s18+$0x130F0];
	p1 =	slt.u32 s21, $0xC4  }
0x9c: {  	v1 =	vld [tilespmem:s18+$0x13000]  }
0x9d: {  	v2 =	vld [tilespmem:s18+$0x13010]  }
0x9e: {  	v3 =	vld [tilespmem:s18+$0x13020]  }
0x9f: {  	v4 =	vld [tilespmem:s18+$0x13030]  }
0xa0: {  	[tilespmem:s18+$0x9AF0] =	vst.add.f32.msk $0xffff, v0  }
0xa1: {  	v5 =	vld [tilespmem:s18+$0x13040]  }
0xa2: {  	v6 =	vld [tilespmem:s18+$0x13050]  }
0xa3: {  	v7 =	vld [tilespmem:s18+$0x13060]  }
0xa4: {  	v8 =	vld [tilespmem:s18+$0x13070]  }
0xa5: {  	v9 =	vld [tilespmem:s18+$0x13080]  }
0xa6: {  	v10 =	vld [tilespmem:s18+$0x13090]  }
0xa7: {  	v11 =	vld [tilespmem:s18+$0x130A0]  }
0xa8: {  	v12 =	vld [tilespmem:s18+$0x130B0]  }
0xa9: {  	v13 =	vld [tilespmem:s18+$0x130C0]  }
0xaa: {  	v14 =	vld [tilespmem:s18+$0x130D0]  }
0xab: {  	v0 =	vld [tilespmem:s18+$0x130E0]  }
0xac: {  	[tilespmem:s18+$0x9A00] =	vst.add.f32.msk $0xffff, v1  }
0xad: {  	[tilespmem:s18+$0x9A10] =	vst.add.f32.msk $0xffff, v2  }
0xae: {  	[tilespmem:s18+$0x9A20] =	vst.add.f32.msk $0xffff, v3  }
0xaf: {  	[tilespmem:s18+$0x9A30] =	vst.add.f32.msk $0xffff, v4  }
0xb0: {  	[tilespmem:s18+$0x9A40] =	vst.add.f32.msk $0xffff, v5  }
0xb1: {  	[tilespmem:s18+$0x9A50] =	vst.add.f32.msk $0xffff, v6  }
0xb2: {  	[tilespmem:s18+$0x9A60] =	vst.add.f32.msk $0xffff, v7  }
0xb3: {  	[tilespmem:s18+$0x9A70] =	vst.add.f32.msk $0xffff, v8  }
0xb4: {  	[tilespmem:s18+$0x9A80] =	vst.add.f32.msk $0xffff, v9  }
.Ltmp1:
0xb5: {  	[tilespmem:s18+$0x9A90] =	vst.add.f32.msk $0xffff, v10;
	(pc) =	sbr.rel @p1 .LBB2_5-.Ltmp1, $4  }
0xb6: {  	[tilespmem:s18+$0x9AA0] =	vst.add.f32.msk $0xffff, v11  }
0xb7: {  	[tilespmem:s18+$0x9AB0] =	vst.add.f32.msk $0xffff, v12  }
0xb8: {  	[tilespmem:s18+$0x9AC0] =	vst.add.f32.msk $0xffff, v13  }
0xb9: {  	s22 =	sadd.s32 $0x400, s22;
	[tilespmem:s18+$0x9AD0] =	vst.add.f32.msk $0xffff, v14  }
0xba: {  	s19 =	sadd.s32 s6, s19  }
0xbb: {  	s19 =	smul.u32 $0x640, s19;
	_ =	sdelay $0x1  }
0xbc: {  	[tilespmem:s18+$0x9AE0] =	vst.add.f32.msk $0xffff, v0;
	s18 =	simm.s32 @!p0 $0x6;
	s22 =	sadd.s32 s2, s19  }
0xbd: {  	[hbm4b:s22+s3] =	stream.linear.scatter [tilespmem:s16], [sflag:$0x6], $0x3200, $0x38;
	[tilespmem:$0x16200] =	vst v63  }
0xbe: {  	_ =	swait.ge @!p0 [sflag:s18], $0x3200  }
0xbf: {  	s21 =	simm.s32 @!p0 $0x9A00;
	[sflag:s18] =	ssyncset.done @!p0 $0x0  }
0xc0: {  	s19 =	simm.s32 @!p0 $0x64;
	[sflag:s18] =	ssyncadd.s32 @!p0 $0xFFFFCE00;
	s18 =	sadd.s32 @!p0 $0x410, s15  }
0xc1: {  	[tilespmem:s21], [sflag:$0x2] =	stream.indirect.gather @!p0 [hbm4b:s4+s19], $0x40, s18, s19, $0xb8;
	[tilespmem:$0x16200] =	vst v63  }
0xc2: {  	s18 =	sadd.s32 @!p0 $0x478, s15;
	s21 =	simm.s32 @!p0 $0xB300  }
0xc3: {  	[tilespmem:s21], [sflag:$0x2] =	stream.indirect.gather @!p0 [hbm4b:s4+s19], $0x40, s18, s19, $0xb8;
	[tilespmem:$0x16200] =	vst v63  }
0xc4: {  	_ =	swait.ge [sflag:s28], $0x3200  }
0xc5: {  	[sflag:s28] =	ssyncset.done $0x0  }
0xc6: {  	s18 =	simm.s32 $0x0;
	[sflag:s28] =	ssyncadd.s32 $0xFFFFCE00  }
0xc7: {  	v0 =	vld [tilespmem:s18+$0x130F0]  }
0xc8: {  	v1 =	vld [tilespmem:s18+$0x13000]  }
0xc9: {  	v2 =	vld [tilespmem:s18+$0x13010]  }
0xca: {  	v3 =	vld [tilespmem:s18+$0x13020]  }
0xcb: {  	v4 =	vld [tilespmem:s18+$0x13030]  }
0xcc: {  	v5 =	vld [tilespmem:s18+$0x13040]  }
0xcd: {  	v6 =	vld [tilespmem:s18+$0x13050]  }
0xce: {  	v7 =	vld [tilespmem:s18+$0x13060]  }
0xcf: {  	v8 =	vld [tilespmem:s18+$0x13070]  }
0xd0: {  	v9 =	vld [tilespmem:s18+$0x13080]  }
0xd1: {  	v10 =	vld [tilespmem:s18+$0x13090]  }
0xd2: {  	v11 =	vld [tilespmem:s18+$0x130A0]  }
0xd3: {  	v12 =	vld [tilespmem:s18+$0x130B0]  }
0xd4: {  	v13 =	vld [tilespmem:s18+$0x130C0]  }
0xd5: {  	v14 =	vld [tilespmem:s18+$0x130D0]  }
0xd6: {  	[tilespmem:s18+$0xCCF0] =	vst.add.f32.msk $0xffff, v0  }
0xd7: {  	v0 =	vld [tilespmem:s18+$0x130E0]  }
0xd8: {  	[tilespmem:s18+$0xCC00] =	vst.add.f32.msk $0xffff, v1  }
0xd9: {  	[tilespmem:s18+$0xCC10] =	vst.add.f32.msk $0xffff, v2  }
0xda: {  	[tilespmem:s18+$0xCC20] =	vst.add.f32.msk $0xffff, v3  }
0xdb: {  	[tilespmem:s18+$0xCC30] =	vst.add.f32.msk $0xffff, v4  }
0xdc: {  	[tilespmem:s18+$0xCC40] =	vst.add.f32.msk $0xffff, v5  }
0xdd: {  	[tilespmem:s18+$0xCC50] =	vst.add.f32.msk $0xffff, v6  }
0xde: {  	[tilespmem:s18+$0xCC60] =	vst.add.f32.msk $0xffff, v7  }
0xdf: {  	[tilespmem:s18+$0xCC70] =	vst.add.f32.msk $0xffff, v8  }
0xe0: {  	[tilespmem:s18+$0xCC80] =	vst.add.f32.msk $0xffff, v9  }
0xe1: {  	[tilespmem:s18+$0xCC90] =	vst.add.f32.msk $0xffff, v10  }
0xe2: {  	[tilespmem:s18+$0xCCA0] =	vst.add.f32.msk $0xffff, v11  }
0xe3: {  	[tilespmem:s18+$0xCCB0] =	vst.add.f32.msk $0xffff, v12  }
0xe4: {  	[tilespmem:s18+$0xCCC0] =	vst.add.f32.msk $0xffff, v13  }
0xe5: {  	s17 =	sor.u32 $0x2, s17;
	s19 =	simm.s32 $0x0;
	s21 =	simm.s32 $0x400;
	[tilespmem:s18+$0xCCD0] =	vst.add.f32.msk $0xffff, v14  }
.LBB2_7:
0xe6: {  	s19 =	sadd.s32 $0x4, s19;
	[tilespmem:s18+$0xCCE0] =	vst.add.f32.msk $0xffff, v0;
	s18 =	sshra.s32 s21, $0x2  }
0xe7: {  	v0 =	vld [tilespmem:s18+$0x130F0];
	p1 =	slt.u32 s19, $0xC4  }
0xe8: {  	v1 =	vld [tilespmem:s18+$0x13000]  }
0xe9: {  	v2 =	vld [tilespmem:s18+$0x13010]  }
0xea: {  	v3 =	vld [tilespmem:s18+$0x13020]  }
0xeb: {  	v4 =	vld [tilespmem:s18+$0x13030]  }
0xec: {  	[tilespmem:s18+$0xCCF0] =	vst.add.f32.msk $0xffff, v0  }
0xed: {  	v5 =	vld [tilespmem:s18+$0x13040]  }
0xee: {  	v6 =	vld [tilespmem:s18+$0x13050]  }
0xef: {  	v7 =	vld [tilespmem:s18+$0x13060]  }
0xf0: {  	v8 =	vld [tilespmem:s18+$0x13070]  }
0xf1: {  	v9 =	vld [tilespmem:s18+$0x13080]  }
0xf2: {  	v10 =	vld [tilespmem:s18+$0x13090]  }
0xf3: {  	v11 =	vld [tilespmem:s18+$0x130A0]  }
0xf4: {  	v12 =	vld [tilespmem:s18+$0x130B0]  }
0xf5: {  	v13 =	vld [tilespmem:s18+$0x130C0]  }
0xf6: {  	v14 =	vld [tilespmem:s18+$0x130D0]  }
0xf7: {  	v0 =	vld [tilespmem:s18+$0x130E0]  }
0xf8: {  	[tilespmem:s18+$0xCC00] =	vst.add.f32.msk $0xffff, v1  }
0xf9: {  	[tilespmem:s18+$0xCC10] =	vst.add.f32.msk $0xffff, v2  }
0xfa: {  	[tilespmem:s18+$0xCC20] =	vst.add.f32.msk $0xffff, v3  }
0xfb: {  	[tilespmem:s18+$0xCC30] =	vst.add.f32.msk $0xffff, v4  }
0xfc: {  	[tilespmem:s18+$0xCC40] =	vst.add.f32.msk $0xffff, v5  }
0xfd: {  	[tilespmem:s18+$0xCC50] =	vst.add.f32.msk $0xffff, v6  }
0xfe: {  	[tilespmem:s18+$0xCC60] =	vst.add.f32.msk $0xffff, v7  }
0xff: {  	[tilespmem:s18+$0xCC70] =	vst.add.f32.msk $0xffff, v8  }
0x100: {  	[tilespmem:s18+$0xCC80] =	vst.add.f32.msk $0xffff, v9  }
.Ltmp2:
0x101: {  	[tilespmem:s18+$0xCC90] =	vst.add.f32.msk $0xffff, v10;
	(pc) =	sbr.rel @p1 .LBB2_7-.Ltmp2, $4  }
0x102: {  	[tilespmem:s18+$0xCCA0] =	vst.add.f32.msk $0xffff, v11  }
0x103: {  	[tilespmem:s18+$0xCCB0] =	vst.add.f32.msk $0xffff, v12  }
0x104: {  	[tilespmem:s18+$0xCCC0] =	vst.add.f32.msk $0xffff, v13  }
0x105: {  	s21 =	sadd.s32 $0x400, s21;
	[tilespmem:s18+$0xCCD0] =	vst.add.f32.msk $0xffff, v14  }
0x106: {  	s17 =	sadd.s32 s6, s17  }
0x107: {  	s17 =	smul.u32 $0x640, s17;
	_ =	sdelay $0x1  }
0x108: {  	[tilespmem:s18+$0xCCE0] =	vst.add.f32.msk $0xffff, v0;
	s17 =	sadd.s32 s2, s17  }
0x109: {  	[hbm4b:s17+s3] =	stream.linear.scatter [tilespmem:s20], [sflag:$0x7], $0x3200, $0x38;
	[tilespmem:$0x16200] =	vst v63  }
0x10a: {  	s17 =	simm.s32 @!p0 $0x7  }
0x10b: {  	_ =	swait.ge @!p0 [sflag:s17], $0x3200  }
0x10c: {  	s18 =	simm.s32 @!p0 $0x64;
	[sflag:s17] =	ssyncset.done @!p0 $0x0  }
0x10d: {  	s19 =	simm.s32 @!p0 $0xCC00;
	[sflag:s17] =	ssyncadd.s32 @!p0 $0xFFFFCE00;
	s17 =	sadd.s32 @!p0 $0x4E0, s15  }
0x10e: {  	[tilespmem:s19], [sflag:$0x3] =	stream.indirect.gather @!p0 [hbm4b:s4+s18], $0x40, s17, s18, $0xb8;
	[tilespmem:$0x16200] =	vst v63  }
0x10f: {  	s15 =	sadd.s32 @!p0 $0x548, s15;
	s17 =	simm.s32 @!p0 $0xE500  }
0x110: {  	[tilespmem:s17], [sflag:$0x3] =	stream.indirect.gather @!p0 [hbm4b:s4+s18], $0x40, s15, s18, $0xb8;
	[tilespmem:$0x16200] =	vst v63  }
0x111: {  	_ =	swait.ge [sflag:s29], $0x3200  }
0x112: {  	[sflag:s29] =	ssyncset.done $0x0  }
0x113: {  	s15 =	simm.s32 $0x0;
	[sflag:s29] =	ssyncadd.s32 $0xFFFFCE00  }
0x114: {  	v0 =	vld [tilespmem:s15+$0x130F0]  }
0x115: {  	v1 =	vld [tilespmem:s15+$0x13000]  }
0x116: {  	v2 =	vld [tilespmem:s15+$0x13010]  }
0x117: {  	v3 =	vld [tilespmem:s15+$0x13020]  }
0x118: {  	v4 =	vld [tilespmem:s15+$0x13030]  }
0x119: {  	v5 =	vld [tilespmem:s15+$0x13040]  }
0x11a: {  	v6 =	vld [tilespmem:s15+$0x13050]  }
0x11b: {  	v7 =	vld [tilespmem:s15+$0x13060]  }
0x11c: {  	v8 =	vld [tilespmem:s15+$0x13070]  }
0x11d: {  	v9 =	vld [tilespmem:s15+$0x13080]  }
0x11e: {  	v10 =	vld [tilespmem:s15+$0x13090]  }
0x11f: {  	v11 =	vld [tilespmem:s15+$0x130A0]  }
0x120: {  	v12 =	vld [tilespmem:s15+$0x130B0]  }
0x121: {  	v13 =	vld [tilespmem:s15+$0x130C0]  }
0x122: {  	v14 =	vld [tilespmem:s15+$0x130D0]  }
0x123: {  	[tilespmem:s15+$0xFEF0] =	vst.add.f32.msk $0xffff, v0  }
0x124: {  	v0 =	vld [tilespmem:s15+$0x130E0]  }
0x125: {  	[tilespmem:s15+$0xFE00] =	vst.add.f32.msk $0xffff, v1  }
0x126: {  	[tilespmem:s15+$0xFE10] =	vst.add.f32.msk $0xffff, v2  }
0x127: {  	[tilespmem:s15+$0xFE20] =	vst.add.f32.msk $0xffff, v3  }
0x128: {  	[tilespmem:s15+$0xFE30] =	vst.add.f32.msk $0xffff, v4  }
0x129: {  	[tilespmem:s15+$0xFE40] =	vst.add.f32.msk $0xffff, v5  }
0x12a: {  	[tilespmem:s15+$0xFE50] =	vst.add.f32.msk $0xffff, v6  }
0x12b: {  	[tilespmem:s15+$0xFE60] =	vst.add.f32.msk $0xffff, v7  }
0x12c: {  	[tilespmem:s15+$0xFE70] =	vst.add.f32.msk $0xffff, v8  }
0x12d: {  	[tilespmem:s15+$0xFE80] =	vst.add.f32.msk $0xffff, v9  }
0x12e: {  	[tilespmem:s15+$0xFE90] =	vst.add.f32.msk $0xffff, v10  }
0x12f: {  	[tilespmem:s15+$0xFEA0] =	vst.add.f32.msk $0xffff, v11  }
0x130: {  	[tilespmem:s15+$0xFEB0] =	vst.add.f32.msk $0xffff, v12  }
0x131: {  	[tilespmem:s15+$0xFEC0] =	vst.add.f32.msk $0xffff, v13  }
0x132: {  	s17 =	simm.s32 $0x0;
	s18 =	simm.s32 $0x400;
	[tilespmem:s15+$0xFED0] =	vst.add.f32.msk $0xffff, v14  }
.LBB2_9:
0x133: {  	s17 =	sadd.s32 $0x4, s17;
	[tilespmem:s15+$0xFEE0] =	vst.add.f32.msk $0xffff, v0;
	s15 =	sshra.s32 s18, $0x2  }
0x134: {  	v0 =	vld [tilespmem:s15+$0x130F0];
	p0 =	slt.u32 s17, $0xC4  }
0x135: {  	v1 =	vld [tilespmem:s15+$0x13000]  }
0x136: {  	v2 =	vld [tilespmem:s15+$0x13010]  }
0x137: {  	v3 =	vld [tilespmem:s15+$0x13020]  }
0x138: {  	v4 =	vld [tilespmem:s15+$0x13030]  }
0x139: {  	[tilespmem:s15+$0xFEF0] =	vst.add.f32.msk $0xffff, v0  }
0x13a: {  	v5 =	vld [tilespmem:s15+$0x13040]  }
0x13b: {  	v6 =	vld [tilespmem:s15+$0x13050]  }
0x13c: {  	v7 =	vld [tilespmem:s15+$0x13060]  }
0x13d: {  	v8 =	vld [tilespmem:s15+$0x13070]  }
0x13e: {  	v9 =	vld [tilespmem:s15+$0x13080]  }
0x13f: {  	v10 =	vld [tilespmem:s15+$0x13090]  }
0x140: {  	v11 =	vld [tilespmem:s15+$0x130A0]  }
0x141: {  	v12 =	vld [tilespmem:s15+$0x130B0]  }
0x142: {  	v13 =	vld [tilespmem:s15+$0x130C0]  }
0x143: {  	v14 =	vld [tilespmem:s15+$0x130D0]  }
0x144: {  	v0 =	vld [tilespmem:s15+$0x130E0]  }
0x145: {  	[tilespmem:s15+$0xFE00] =	vst.add.f32.msk $0xffff, v1  }
0x146: {  	[tilespmem:s15+$0xFE10] =	vst.add.f32.msk $0xffff, v2  }
0x147: {  	[tilespmem:s15+$0xFE20] =	vst.add.f32.msk $0xffff, v3  }
0x148: {  	[tilespmem:s15+$0xFE30] =	vst.add.f32.msk $0xffff, v4  }
0x149: {  	[tilespmem:s15+$0xFE40] =	vst.add.f32.msk $0xffff, v5  }
0x14a: {  	[tilespmem:s15+$0xFE50] =	vst.add.f32.msk $0xffff, v6  }
0x14b: {  	[tilespmem:s15+$0xFE60] =	vst.add.f32.msk $0xffff, v7  }
0x14c: {  	[tilespmem:s15+$0xFE70] =	vst.add.f32.msk $0xffff, v8  }
0x14d: {  	[tilespmem:s15+$0xFE80] =	vst.add.f32.msk $0xffff, v9  }
.Ltmp3:
0x14e: {  	[tilespmem:s15+$0xFE90] =	vst.add.f32.msk $0xffff, v10;
	(pc) =	sbr.rel @p0 .LBB2_9-.Ltmp3, $4  }
0x14f: {  	[tilespmem:s15+$0xFEA0] =	vst.add.f32.msk $0xffff, v11  }
0x150: {  	[tilespmem:s15+$0xFEB0] =	vst.add.f32.msk $0xffff, v12  }
0x151: {  	[tilespmem:s15+$0xFEC0] =	vst.add.f32.msk $0xffff, v13  }
0x152: {  	s18 =	sadd.s32 $0x400, s18;
	[tilespmem:s15+$0xFED0] =	vst.add.f32.msk $0xffff, v14  }
0x153: {  	s13 =	sadd.s32 $0x1, s13  }
0x154: {  	p0 =	sne.s32 s13, $0x20  }
.Ltmp4:
0x155: {  	s14 =	sadd.s32 s6, s14;
	(pc) =	sbr.rel @p0 .LBB2_2-.Ltmp4, $3  }
0x156: {  	s14 =	smul.u32 $0x640, s14;
	_ =	sdelay $0x1  }
0x157: {  	[tilespmem:s15+$0xFEE0] =	vst.add.f32.msk $0xffff, v0;
	s14 =	sadd.s32 s2, s14  }
0x158: {  	[hbm4b:s14+s3] =	stream.linear.scatter [tilespmem:s23], [sflag:$0x8], $0x3200, $0x38;
	[tilespmem:$0x16200] =	vst v63  }
0x159: {  	_ =	swait.ge [sflag:s30], $0x3200  }
0x15a: {  	[sflag:s30] =	ssyncset.done $0x0  }
0x15b: {  	[sflag:s30] =	ssyncadd.s32 $0xFFFFCE00  }
0x15c: {  	_ =	swait.ge [sflag:s31], $0x3200  }
0x15d: {  	[sflag:s31] =	ssyncset.done $0x0  }
0x15e: {  	s9 =	sadd.s32 $0x1, s9;
	[sflag:s31] =	ssyncadd.s32 $0xFFFFCE00  }
0x15f: {  	p0 =	sne.s32 s9, s8;
	_ =	swait.ge [sflag:s1], $0x3200  }
.Ltmp5:
0x160: {  	[sflag:s1] =	ssyncset.done $0x0;
	(pc) =	sbr.rel @p0 .LBB2_1-.Ltmp5, $4  }
0x161: {  	[sflag:s1] =	ssyncadd.s32 $0xFFFFCE00  }
0x162: {  	_ =	swait.ge [sflag:s0], $0x3200  }
0x163: {  	[sflag:s0] =	ssyncset.done $0x0  }
0x164: {  	[sflag:s0] =	ssyncadd.s32 $0xFFFFCE00  }
0x165: {  	_ =	sfence.sel $0x180000  }
0x166: {  	[bflag:$0x0] =	sbarrier.arrive $0xFFFF  }
0x167: {  	_ =	strace $0x90000047  }
0x168: {  	s0 =	stileid.u32;
	[bflag:$0x2] =	sbarrier.arrive $0xFFFF  }
0x169: {  	p0 =	sne.s32 s0, $0x0;
	s0 =	rddreg [dreg:$0x2]  }
0x16a: {  	s0 =	sadd.s32 @!p0 $0x100000, s0  }
0x16b: {  	[sflag:s0] =	ssyncadd.tile.s32 @!p0 $0x1;
	_ =	shalt  }
.Lfunc_end2:
_tile_overlayer_lowered:
.L_overlay_start_2:
0x16c: {  	(tag) =	ssettag $0x2  }
0x16d: {  	s0 =	rddreg [dreg:$0x0];
	s2 =	stileid.u32  }
0x16e: {  	s1 =	rddreg [dreg:$0x1];
	p0 =	sne.s32 s2, $0x0  }
0x16f: {  	s3 =	rddreg [dreg:$0x2];
	[bflag:$0x3] =	sbarrier.arrive $0xFFFF;
	s2 =	simm.s32 @!p0 $0x1C09  }
0x170: {  	[timem:s3], [sflag:s2] =	dma.local @!p0 [hbm:s0], s1  }
0x171: {  	s0 =	simm.s32 @!p0 $0x9  }
0x172: {  	_ =	swait.ge @!p0 [sflag:s0], s1  }
0x173: {  	s1 =	ssub.s32 @!p0 $0x0, s1;
	[sflag:s0] =	ssyncset.done @!p0 $0x0  }
0x174: {  	[sflag:s0] =	ssyncadd.s32 @!p0 s1  }
0x175: {  	[bflag:$0x3] =	sbarrier.arrive $0xFFFF  }
0x176: {  	_ =	shalt  }

// kernel: sparse-core-data-format-call.cloned.1.call-start
scs
called_computation_lowered:
.L_overlay_start_0:
0x0: {  	s2 =	sld [smem:$0x3FD9]  }
0x1: {  	s3 =	sld [smem:$0x3FFE];
	_ =	sdelay $0x1  }
0x2: {  	s1 =	srdreg.scid  }
0x3: {  	s0 =	sand.u32 $0x1, s1  }
0x4: {  	s18 =	sshll.u32 s0, $0xA;
	s2 =	sadd.s32 s3, s2  }
0x5: {  	s2 =	sadd.s32 s2, s18  }
0x6: {  	[smem:$0x3FC6] =	sst s2  }
0x7: {  	_ = 	snop  }
0x8: {  	s2 =	sld [smem:$0x3FD0];
	(tm) =	ssettm $0x1  }
0x9: {  	s19 =	sld [smem:$0x3FFB];
	_ =	sdelay $0x3  }
0xa: {  	_ =	strace s19  }
0xb: {  	s3 =	sld [smem:$0x3FFC];
	_ =	sdelay $0x3  }
0xc: {  	_ =	strace s3  }
0xd: {  	s3 =	sld [smem:$0x3FFD];
	_ =	sdelay $0x3  }
0xe: {  	_ =	strace s3  }
0xf: {  	_ =	strace $0x8FFFFFFF  }
0x10: {  	s20 =	sld [smem:$0x3FDB];
	_ =	sdelay $0x1  }
0x11: {  	s4 =	simm.s32 $_scs_section_size  }
0x12: {  	s5 =	simm.s32 $_size__tile_overlayer_lowered;
	s6 =	simm.s32 $_tile_overlayer_lowered  }
0x13: {  	s23 =	simm.s32 $0x1BFF;
	s22 =	sshll.u32 s6, $0x1;
	s3 =	sadd.s32 s4, s20  }
0x14: {  	s7 =	simm.s32 $0x0;
	s21 =	sshll.u32 s5, $0x1;
	s5 =	sadd.s32 s22, s3  }
0x15: {  	[timem:s7], [sflag:s23] =	dma.local [hbm:s5], s21  }
0x16: {  	_ =	swait.ge [sflag:s23], s21  }
0x17: {  	s4 =	ssub.s32 $0x0, s21;
	[sflag:s23] =	ssyncset.done $0x0  }
0x18: {  	[sflag:s23] =	ssyncadd.s32 s4;
	_ =	sdelay $0x1  }
0x19: {  	s24 =	simm.s32 $0x1B8B  }
0x1a: {  	_ =	swait.ge [sflag:s24], $0x1  }
0x1b: {  	[sflag:s24] =	ssyncset.done $0x0  }
0x1c: {  	s26 =	simm.s32 $0x1B8E;
	s25 =	sld [smem:$0x3FFE];
	[sflag:s24] =	ssyncadd.s32 $0xFFFFFFFF  }
0x1d: {  	s27 =	simm.s32 $execute0_lowered;
	[smem:$0x3FD2] =	sst s26  }
0x1e: {  	s5 =	sshll.u32 s27, $0x1;
	_ =	strace $0x80000049;
	[dreg:$0x1] =	wrdreg $0xFFFFFFFF  }
0x1f: {  	s28 =	simm.s32 $_size_execute0_lowered;
	s3 =	sadd.s32 s3, s5;
	[dreg:$0x0] =	wrdreg $0x0  }
0x20: {  	s5 =	sshll.u32 s28, $0x1;
	[dreg:$0x2] =	wrdreg s3  }
0x21: {  	[dreg:$0x3] =	wrdreg s5  }
0x22: {  	[dreg:$0x4] =	wrdreg $0xC0  }
0x23: {  	_ =	task [dreg:s7], $0x5FFFF  }
0x24: {  	[dreg:$0x1] =	wrdreg $0xFFFFFFFF  }
0x25: {  	[dreg:$0x0] =	wrdreg $0x60  }
0x26: {  	[dreg:$0x2] =	wrdreg s25  }
0x27: {  	[dreg:$0x3] =	wrdreg s2  }
0x28: {  	[dreg:$0x4] =	wrdreg $0x9  }
0x29: {  	_ =	task.clear_ibuf [dreg:s7], $0x5FFFF;
	_ =	strace $0x90000049  }
0x2a: {  	s29 =	simm.s32 $0x9;
	_ =	strace $0x8000004B  }
0x2b: {  	_ =	swait.ge [sflag:s29], $0x1  }
0x2c: {  	[sflag:s29] =	ssyncadd.s32 $0xFFFFFFFF  }
0x2d: {  	_ =	strace $0x9000004B  }
0x2e: {  	_ =	sfence  }
0x2f: {  	s30 =	sld [smem:$0x0];
	_ =	sdelay $0x2  }
0x30: {  	s31 =	sshll.u32 s1, $0xD;
	s1 =	sshrl.u32 s1, $0x2  }
0x31: {  	s3 =	sand.u32 $0x4000, s31;
	s1 =	sadd.s32 s1, s30  }
0x32: {  	s0 =	sor.u32 s3, s0;
	s1 =	sshll.u32 s1, $0x11  }
0x33: {  	s0 =	sor.u32 s1, s0  }
0x34: {  	s0 =	sadd.s32 $0x8F2B, s0  }
0x35: {  	[sflag:s0] =	ssyncadd.remote.s32 $0x1  }
0x36: {  	_ =	sfence.sel $0xFFFF  }
0x37: {  	[dreg:$0x0] =	wrdreg $0xFFFFFFFF;
	(pc) =	sbr.abs _section_cstart, $3  }
0x38: {  	[dreg:$0x1] =	wrdreg $0xFFFFFFFF  }
0x39: {  	_ =	task.clear_ibuf [dreg:s7], $0x2FFFF;
	_ =	strace $0x9FFFFFFF  }
0x3a: {  	(tm) =	ssettm $0x7FFFFFFF  }
0x3b: {  	_ =	shalt  }
tec
execute0_lowered:
.L_overlay_start_1:
0x0: {  	(tag) =	ssettag $0x1  }
0x1: {  	s0 =	srdreg.scid  }
0x2: {  	s1 =	sshll.u32 s0, $0x4  }
0x3: {  	s0 =	stileid.u32;
	s1 =	sand.u32 $0x10, s1  }
0x4: {  	s1 =	sor.u32 s0, s1  }
0x5: {  	s6 =	rddreg [dreg:$0x0];
	s4 =	simm.s32 $0x1;
	s2 =	sshll.u32 s1, $0x7  }
0x6: {  	s7 =	simm.s32 $0x2;
	s12 =	simm.s32 $0x0;
	s1 =	ssub.s32 $0x1000, s2  }
0x7: {  	s8 =	simm.s32 $0x8000;
	s13 =	simm.s32 $0x0;
	s3 =	sand.u32 $0xF80, s1  }
0x8: {  	s9 =	simm.s32 $0x0;
	s5 =	sshrl.u32 s1, $0xC;
	p0 =	sne.s32 s3, $0x0  }
.Ltmp0:
0x9: {  	s1 =	rddreg [dreg:$0x2];
	s4 =	simm.s32 @!p0 $0x0;
	(pc) =	sbr.rel .LBB1_1-.Ltmp0, $4  }
0xa: {  	s11 =	simm.s32 $0x0;
	s3 =	rddreg [dreg:$0x1];
	s5 =	sadd.s32 s4, s5  }
0xb: {  	_ =	strace $0x8000004A;
	s4 =	simm.s32 $0x1;
	s5 =	smul.u32 $0xC8, s5  }
0xc: {  	s6 =	sadd.s32 $0x400, s6;
	s10 =	smov.u32 s2;
	[sflag:s4] =	ssyncpa.u1 $0x0  }
0xd: {  	p0 =	por $0x0, $0x0;
	[sflag:s7] =	ssyncpa.u1 $0x0;
	s7 =	sor.u32 $0x1, s5  }
.LBB1_4:
0xe: {  	s16 =	sshll.u32 s13, $0x3;
	s17 =	sand.u32 $0x78, s13  }
0xf: {  	s30 =	sand.u32 $0x7E00, s13;
	s12 =	sshll.u32 s12, $0xF;
	s16 =	sand.u32 $0xC00, s16  }
0x10: {  	[tilespmem:s15+$0x810 ss:$0x81] =	vst.msk $0xffff, v2;
	s31 =	sand.u32 $0x7, s13;
	s16 =	sor.u32 s17, s16;
	s17 =	sadd.s32 s3, s30  }
0x11: {  	[tilespmem:s15+$0x1020 ss:$0x81] =	vst.msk $0xffff, v0;
	s13 =	sshll.u32 s31, $0x12;
	s12 =	sadd.s32 s12, s17;
	s16 =	sshrl.u32 s16, $0x3  }
0x12: {  	[tilespmem:s15+$0x0 ss:$0x81] =	vst.msk $0xffff, v1;
	s13 =	sor.u32 $0x400, s13;
	s12 =	sadd.s32 s16, s12  }
0x13: {  	[hbm4b:s12+s13] =	stream.strided.scatter [tilespmem:s14], [sflag:$0x2], $0x2000, s8, s13, $0x20;
	[tilespmem:$0x8080] =	vst v63  }
.LBB1_5:
0x14: {  	s14 =	sadd.s32 $0x1, s9  }
0x15: {  	s12 =	sadd.s32 $0x1000, s10;
	s16 =	smov.u32 s10;
	p2 =	sgt.s32 s14, $0xC7  }
0x16: {  	s16 =	smov.u32 @p2 s12  }
0x17: {  	s14 =	simm.s32 @p2 $0x0;
	p2 =	sgt.s32 s16, $0xFFF  }
0x18: {  	s16 =	smov.u32 @p2 s2;
	p2 =	sne.s32 s11, s7  }
.Ltmp1:
0x19: {  	p1 =	slt.u32 s11, $0x2;
	(pc) =	sbr.rel @!p2 .LBB1_6-.Ltmp1, $4  }
0x1a: {  	s15 =	simm.s32 @!p1 $0x2  }
0x1b: {  	s13 =	smov.u32 s10;
	p0 =	por !p0, !p0;
	_ =	swait.ge @!p1 [sflag:s15], $0x2000  }
0x1c: {  	s12 =	smov.u32 s9;
	[sflag:s15] =	ssyncset.done @!p1 $0x0;
	s9 =	smov.u32 s14  }
0x1d: {  	s11 =	sadd.s32 $0x1, s11;
	[sflag:s15] =	ssyncadd.s32 @!p1 $0xFFFFE000;
	s10 =	smov.u32 s16  }
.LBB1_1:
0x1e: {  	p1 =	sge.u32 s11, s5  }
0x1f: {  	s14 =	sand.u32 @!p1 $0x1FFFFFF, s9  }
0x20: {  	s15 =	smulhi.u32 @!p1 $0x147AE15, s14;
	_ =	sdelay $0x1  }
0x21: {  	s15 =	smul.u32 @!p1 $0xC8, s15  }
0x22: {  	s16 =	sxor.u32 @!p1 $0xFFFFFFFF, s11;
	s17 =	smul.u32 @!p1 $0xC80, s10  }
0x23: {  	s31 =	sadd.s32 $0xFFFFFFFF, s11;
	s16 =	sshll.u32 @!p1 s16, $0xD;
	s14 =	ssub.s32 @!p1 s14, s15  }
0x24: {  	s15 =	sand.u32 @!p1 $0x2000, s16;
	s16 =	sadd.s32 @!p1 s6, s17;
	s14 =	sshll.u32 @!p1 s14, $0x4  }
0x25: {  	s17 =	simm.s32 @!p1 $0x6400;
	s14 =	sadd.s32 @!p1 s14, s16;
	s16 =	simm.s32 @!p1 $0x40  }
0x26: {  	[tilespmem:s15], [sflag:$0x1] =	stream.strided.gather @!p1 [hbm4b:s14+s16], $0x2000, s17, s16, $0x38;
	[tilespmem:$0x8080] =	vst v63  }
0x27: {  	p1 =	sge.u32 s31, s5  }
.Ltmp2:
0x28: {  	_ = 	snop;
	(pc) =	sbr.rel @p1 .LBB1_5-.Ltmp2, $1  }
0x29: {  	_ =	sdelay $0x3  }
0x2a: {  	s14 =	simm.s32 $0x1  }
0x2b: {  	_ =	swait.ge [sflag:s4], $0x2000;
	s14 =	simm.s32 @!p0 $0x0  }
0x2c: {  	[sflag:s4] =	ssyncset.done $0x0;
	s15 =	sshll.u32 s14, $0xD  }
0x2d: {  	[sflag:s4] =	ssyncadd.s32 $0xFFFFE000;
	s18 =	sor.u32 $0x20, s15  }
0x2e: {  	s14 =	smul.u32 $0x8100, s14;
	v3 =	vld [tilespmem:s18+$0x10]  }
0x2f: {  	s30 =	sand.u32 $0x1, s11;
	v2 =	vld [tilespmem:s18+$0xFFFFFFF0]  }
0x30: {  	s15 =	smul.u32 $0x8100, s30;
	s14 =	sshrl.u32 s14, $0x2;
	v0 =	vld [tilespmem:s18+$0x0]  }
0x31: {  	v1 =	vld [tilespmem:s18+$0xFFFFFFE0];
	s16 =	sor.u32 $0x4000, s14  }
0x32: {  	s31 =	sshrl.u32 s15, $0x2;
	s15 =	sadd.s32 $0x0, s16  }
0x33: {  	s17 =	simm.s32 $0x4;
	s18 =	sadd.s32 $0x40, s18;
	s14 =	sor.u32 $0x4000, s31;
	[tilespmem:s15+$0x1830 ss:$0x81] =	vst.msk $0xffff, v3  }
.LBB1_3:
0x34: {  	v3 =	vld [tilespmem:s18+$0x10];
	p1 =	sne.s32 s17, $0x1FC;
	[tilespmem:s15+$0x810 ss:$0x81] =	vst.msk $0xffff, v2;
	s19 =	smov.u32 s17;
	s17 =	sadd.s32 $0x4, s17  }
.Ltmp3:
0x35: {  	v2 =	vld [tilespmem:s18+$0xFFFFFFF0];
	[tilespmem:s15+$0x1020 ss:$0x81] =	vst.msk $0xffff, v0;
	(pc) =	sbr.rel @p1 .LBB1_3-.Ltmp3, $4  }
0x36: {  	v0 =	vld [tilespmem:s18+$0x0];
	[tilespmem:s15+$0x0 ss:$0x81] =	vst.msk $0xffff, v1  }
0x37: {  	s15 =	sshra.s32 s19, $0x2;
	v1 =	vld [tilespmem:s18+$0xFFFFFFE0]  }
0x38: {  	s15 =	sadd.s32 s15, s16  }
0x39: {  	s18 =	sadd.s32 $0x40, s18;
	[tilespmem:s15+$0x1830 ss:$0x81] =	vst.msk $0xffff, v3  }
.Ltmp4:
0x3a: {  	_ = 	snop;
	(pc) =	sbr.rel .LBB1_4-.Ltmp4, $1  }
0x3b: {  	_ =	sdelay $0x3  }
.LBB1_6:
0x3c: {  	_ =	sfence.sel $0x180000  }
0x3d: {  	s2 =	simm.s32 $0x1;
	[bflag:$0x0] =	sbarrier.arrive $0xFFFF  }
0x3e: {  	s31 =	simm.s32 $0x2;
	[sflag:s2] =	ssyncpa.u1 $0x1  }
0x3f: {  	[sflag:s31] =	ssyncpa.u1 $0x1  }
0x40: {  	p0 =	sne.s32 s0, $0x0;
	_ =	strace $0x9000004A  }
0x41: {  	s0 =	sadd.s32 @!p0 $0x100000, s1;
	[bflag:$0x2] =	sbarrier.arrive $0xFFFF  }
0x42: {  	[sflag:s0] =	ssyncadd.tile.s32 @!p0 $0x1;
	_ =	shalt  }
.Lfunc_end1:
_tile_overlayer_lowered:
.L_overlay_start_2:
0x43: {  	(tag) =	ssettag $0x2  }
0x44: {  	s0 =	rddreg [dreg:$0x0];
	s2 =	stileid.u32  }
0x45: {  	s1 =	rddreg [dreg:$0x1];
	p0 =	sne.s32 s2, $0x0  }
0x46: {  	s3 =	rddreg [dreg:$0x2];
	[bflag:$0x3] =	sbarrier.arrive $0xFFFF;
	s2 =	simm.s32 @!p0 $0x1C01  }
0x47: {  	[timem:s3], [sflag:s2] =	dma.local @!p0 [hbm:s0], s1  }
0x48: {  	s0 =	simm.s32 @!p0 $0x1  }
0x49: {  	_ =	swait.ge @!p0 [sflag:s0], s1  }
0x4a: {  	s1 =	ssub.s32 @!p0 $0x0, s1;
	[sflag:s0] =	ssyncset.done @!p0 $0x0  }
0x4b: {  	[sflag:s0] =	ssyncadd.s32 @!p0 s1  }
0x4c: {  	[bflag:$0x3] =	sbarrier.arrive $0xFFFF  }
0x4d: {  	_ =	shalt  }

</sc_bundles>
